<compile_context>
chip_gen: v7x
topology: tpu7x:2x2x1
jax: 0.10.2.dev20260603
libtpu: 0.0.44.dev20260713+nightly
codegen_flags: <defaults>
</compile_context>

<pallas_src>
import functools

import jax
import jax.numpy as jnp
from jax import lax
from jax.experimental import pallas as pl
from jax.experimental.pallas import tpu as pltpu
from jax.experimental.pallas import tpu_sc as plsc

_N = 2097152
_E = _N * 4
_NB = _N // 128

_SCB = 8192
_NW = 32
_RPW = _SCB * 128 // _NW
_CHR = 4096
_CHE = _CHR * 4
_CHUNKS = _RPW // _CHR
_GROUPS = _CHR // 16

_TCX = (_NB - _SCB) // 2
_TCOFF = _SCB // 2
_TCB = 512
_TCGRID = _TCX // _TCB


def _sc_kernel(o_hbm, t_hbm, l_hbm, tot_hbm, cnt_hbm,
               o_bufs, t_bufs, l_bufs, sems, stage):
    wid = lax.axis_index("s") * 2 + lax.axis_index("c")
    row0 = wid * _RPW

    def start(c, b):
        r0 = row0 + c * _CHR
        pltpu.async_copy(o_hbm.at[pl.ds(r0 * 4, _CHE)], o_bufs[b], sems[b])
        pltpu.async_copy(t_hbm.at[pl.ds(r0 * 4, _CHE)], t_bufs[b], sems[b])
        pltpu.async_copy(l_hbm.at[pl.ds(r0, _CHR)], l_bufs[b], sems[b])

    def wait(c, b):
        r0 = row0 + c * _CHR
        pltpu.make_async_copy(
            o_hbm.at[pl.ds(r0 * 4, _CHE)], o_bufs[b], sems[b]
        ).wait()
        pltpu.make_async_copy(
            t_hbm.at[pl.ds(r0 * 4, _CHE)], t_bufs[b], sems[b]
        ).wait()
        pltpu.make_async_copy(
            l_hbm.at[pl.ds(r0, _CHR)], l_bufs[b], sems[b]
        ).wait()

    def compute(b, acc, cnt):
        o_buf, t_buf, l_buf = o_bufs[b], t_bufs[b], l_bufs[b]

        def group_body(g, carry2):
            acc2, cnt2 = carry2
            l16 = l_buf[pl.ds(g * 16, 16)]
            msk = jnp.where(l16 == 1, 1.0, 0.0)
            off = (g >> 3) * 512 + (g & 7) * 16
            hsum = jnp.zeros((16,), jnp.float32)
            for col in range(4):
                o_v = o_buf[pl.ds(off + col * 128, 16)]
                t_v = t_buf[pl.ds(off + col * 128, 16)]
                d = o_v - t_v
                a = jnp.abs(d)
                q = jnp.minimum(a, 1.0)
                hsum = hsum + q * (a - 0.5 * q)
            acc2 = acc2 + msk * hsum
            cnt2 = cnt2 + msk
            return acc2, cnt2

        return lax.fori_loop(0, _GROUPS, group_body, (acc, cnt))

    start(0, 0)
    zeros = jnp.zeros((16,), jnp.float32)

    def pair_body(i, carry):
        acc, cnt = carry
        c0 = i * 2
        start(c0 + 1, 1)
        wait(c0, 0)
        acc, cnt = compute(0, acc, cnt)

        @pl.when(c0 + 2 < _CHUNKS)
        def _():
            start(c0 + 2, 0)

        wait(c0 + 1, 1)
        return compute(1, acc, cnt)

    acc, cnt = lax.fori_loop(0, _CHUNKS // 2, pair_body, (zeros, zeros))

    stage[...] = acc
    pltpu.sync_copy(stage, tot_hbm.at[wid])
    stage[...] = cnt
    pltpu.sync_copy(stage, cnt_hbm.at[wid])


def _tc_kernel(o_ref, t_ref, l_ref, out_ref, acc_ref):
    step = pl.program_id(0)

    @pl.when(step == 0)
    def _init():
        acc_ref[0] = 0.0
        acc_ref[1] = 0.0

    diff = o_ref[...] - t_ref[...]
    a = jnp.abs(diff)
    q = jnp.minimum(a, 1.0)
    h = q * (a - 0.5 * q)

    mf = (l_ref[...] == 1).astype(jnp.float32)
    m3 = mf.reshape(_TCB, 2, 128)
    m8 = jnp.broadcast_to(m3[:, :, None, :], (_TCB, 2, 4, 128)).reshape(
        _TCB, 8, 128
    )
    acc_ref[0] += jnp.sum(h * m8)
    acc_ref[1] += jnp.sum(mf)

    @pl.when(step == _TCGRID - 1)
    def _fini():
        out_ref[0] = acc_ref[0]
        out_ref[1] = acc_ref[1]


def _finish_kernel(tot_ref, cnt_ref, tc_ref, out_ref):
    total = jnp.sum(tot_ref[...]) + tc_ref[0]
    npos = jnp.sum(cnt_ref[...]) + tc_ref[1]
    out_ref[0] = total / jnp.maximum(npos * 4.0, 1.0)


@jax.jit
def kernel(out_bbox, labels, bbox_targets):
    o_flat = out_bbox.reshape(_NB, 128, 4).transpose(0, 2, 1).reshape(_E)
    t_flat = bbox_targets.reshape(_NB, 128, 4).transpose(0, 2, 1).reshape(_E)
    o3 = o_flat.reshape(_NB // 2, 8, 128)
    t3 = t_flat.reshape(_NB // 2, 8, 128)
    l2 = labels.reshape(_NB, 128)

    mesh = plsc.VectorSubcoreMesh(core_axis_name="c", subcore_axis_name="s")
    sc = pl.kernel(
        _sc_kernel,
        out_type=[
            jax.ShapeDtypeStruct((_NW, 16), jnp.float32),
            jax.ShapeDtypeStruct((_NW, 16), jnp.float32),
        ],
        mesh=mesh,
        scratch_types=[
            [pltpu.VMEM((_CHE,), jnp.float32)] * 2,
            [pltpu.VMEM((_CHE,), jnp.float32)] * 2,
            [pltpu.VMEM((_CHR,), jnp.int32)] * 2,
            [pltpu.SemaphoreType.DMA] * 2,
            pltpu.VMEM((16,), jnp.float32),
        ],
        compiler_params=pltpu.CompilerParams(
            use_tc_tiling_on_sc=False, needs_layout_passes=False
        ),
    )
    tot, cnt = sc(o_flat, t_flat, labels)

    tc_part = pl.pallas_call(
        _tc_kernel,
        grid=(_TCGRID,),
        in_specs=[
            pl.BlockSpec((_TCB, 8, 128), lambda i: (i + _TCOFF // _TCB, 0, 0)),
            pl.BlockSpec((_TCB, 8, 128), lambda i: (i + _TCOFF // _TCB, 0, 0)),
            pl.BlockSpec((_TCB * 2, 128), lambda i: (i + _TCOFF // _TCB, 0)),
        ],
        out_specs=pl.BlockSpec(memory_space=pltpu.SMEM),
        out_shape=jax.ShapeDtypeStruct((2,), jnp.float32),
        scratch_shapes=[pltpu.SMEM((2,), jnp.float32)],
    )(o3, t3, l2)

    out = pl.pallas_call(
        _finish_kernel,
        in_specs=[
            pl.BlockSpec(memory_space=pltpu.VMEM),
            pl.BlockSpec(memory_space=pltpu.VMEM),
            pl.BlockSpec(memory_space=pltpu.SMEM),
        ],
        out_specs=pl.BlockSpec(memory_space=pltpu.SMEM),
        out_shape=jax.ShapeDtypeStruct((1,), jnp.float32),
    )(tot, cnt, tc_part)
    return out[0]

# --- scband reference (transcript-rebuilt; emitter-appended) ---
"""Pipeline reference for scband-loss-bbox-41901700939964 (READ-ONLY COPY).

The authoritative reference and input builder live on the scoring server;
editing this copy changes nothing except your own understanding.
"""

import jax, jax.numpy as jnp
import numpy as np

N = 2097152

def setup_inputs(seed: int = 0) -> dict:
    key = jax.random.key(seed)
    k1, k2, k3 = jax.random.split(key, 3)
    out_bbox = jax.random.normal(k1, (N, 4), dtype=jnp.float32)
    labels = jax.random.randint(k2, (N,), 0, 2, dtype=jnp.int32)
    bbox_targets = jax.random.normal(k3, (N, 4), dtype=jnp.float32)
    return {"out_bbox": out_bbox, "labels": labels, "bbox_targets": bbox_targets}


def _smooth_l1_elem(diff):
    absd = jnp.abs(diff)
    return jnp.where(absd < 1.0, 0.5 * diff * diff, absd - 0.5)


def reference(out_bbox, labels, bbox_targets):
    # torch: pos_idcs = labels.view(-1).eq(1).nonzero(); index_select rows; SmoothL1Loss(mean)
    # jax (static-shape equivalent): masked sum over positive rows / (num_pos * 4)
    mask = (labels.reshape(-1) == 1)
    diff = out_bbox.reshape(-1, 4) - bbox_targets.reshape(-1, 4)
    per_elem = _smooth_l1_elem(diff)
    maskf = mask.astype(per_elem.dtype)[:, None]
    total = jnp.sum(per_elem * maskf)
    denom = jnp.maximum(jnp.sum(mask.astype(jnp.int32)) * 4, 1).astype(per_elem.dtype)
    return total / denom

if __name__ == "__main__":
    import jax
    _d = setup_inputs()
    print(jax.jit(kernel)(*tuple(_d.values())))

</pallas_src>

<mosaic_0001>
#map = affine_map<(d0, d1) -> (0)>
#map1 = affine_map<(d0, d1) -> (0, 0)>
module attributes {stable_mosaic.version = 14 : i64} {
  func.func @_sc_kernel(%arg0: i32, %arg1: i32, %arg2: memref<8388608xf32, #tpu.memory_space<hbm>>, %arg3: memref<8388608xf32, #tpu.memory_space<hbm>>, %arg4: memref<2097152xi32, #tpu.memory_space<hbm>>, %arg5: memref<32x16xf32, #tpu.memory_space<hbm>>, %arg6: memref<32x16xf32, #tpu.memory_space<hbm>>, %arg7: memref<16384xf32, #tpu.memory_space<vmem>>, %arg8: memref<16384xf32, #tpu.memory_space<vmem>>, %arg9: memref<16384xf32, #tpu.memory_space<vmem>>, %arg10: memref<16384xf32, #tpu.memory_space<vmem>>, %arg11: memref<4096xi32, #tpu.memory_space<vmem>>, %arg12: memref<4096xi32, #tpu.memory_space<vmem>>, %arg13: memref<!tpu.dma_semaphore, #tpu.memory_space<semaphore_mem>>, %arg14: memref<!tpu.dma_semaphore, #tpu.memory_space<semaphore_mem>>, %arg15: memref<16xf32, #tpu.memory_space<vmem>>) attributes {dimension_semantics = [#tpu.dimension_semantics<core_parallel>, #tpu.dimension_semantics<subcore_parallel>], iteration_bounds = array<i64: 2, 16>, scalar_prefetch = 0 : i64, scratch_operands = 9 : i64, tpu.core_type = #tpu.core_type<sc_vector_subcore>, window_params = [{transform_indices = #map}, {transform_indices = #map}, {transform_indices = #map}, {transform_indices = #map1}, {transform_indices = #map1}]} {
    %mul3A = arith.constant 2 : i32
    %mul3A_0 = arith.muli %arg1, %mul3A : i32
    %add3A = arith.addi %mul3A_0, %arg0 : i32
    %mul3A_1 = arith.constant 32768 : i32
    %mul3A_2 = arith.muli %add3A, %mul3A_1 : i32
    %add3A_3 = arith.constant 0 : i32
    %add3A_4 = arith.addi %mul3A_2, %add3A_3 : i32
    %mul3A_5 = arith.constant 4 : i32
    %mul3A_6 = arith.muli %add3A_4, %mul3A_5 : i32
    %dma_start3A = tpu.memref_slice %arg2[%mul3A_6] : memref<8388608xf32, #tpu.memory_space<hbm>> -> memref<16384xf32, #tpu.memory_space<hbm>>
    %dma_start3A_7 = tpu.memref_slice %arg2[%mul3A_6] : memref<8388608xf32, #tpu.memory_space<hbm>> -> memref<16384xf32, #tpu.memory_space<hbm>>
    tpu.enqueue_dma source(%dma_start3A_7 : memref<16384xf32, #tpu.memory_space<hbm>>) target(%arg7 : memref<16384xf32, #tpu.memory_space<vmem>>) target_semaphore(%arg13 : memref<!tpu.dma_semaphore, #tpu.memory_space<semaphore_mem>>)
    %mul3A_8 = arith.constant 4 : i32
    %mul3A_9 = arith.muli %add3A_4, %mul3A_8 : i32
    %dma_start3A_10 = tpu.memref_slice %arg3[%mul3A_9] : memref<8388608xf32, #tpu.memory_space<hbm>> -> memref<16384xf32, #tpu.memory_space<hbm>>
    %dma_start3A_11 = tpu.memref_slice %arg3[%mul3A_9] : memref<8388608xf32, #tpu.memory_space<hbm>> -> memref<16384xf32, #tpu.memory_space<hbm>>
    tpu.enqueue_dma source(%dma_start3A_11 : memref<16384xf32, #tpu.memory_space<hbm>>) target(%arg9 : memref<16384xf32, #tpu.memory_space<vmem>>) target_semaphore(%arg13 : memref<!tpu.dma_semaphore, #tpu.memory_space<semaphore_mem>>)
    %dma_start3A_12 = tpu.memref_slice %arg4[%add3A_4] : memref<2097152xi32, #tpu.memory_space<hbm>> -> memref<4096xi32, #tpu.memory_space<hbm>>
    %dma_start3A_13 = tpu.memref_slice %arg4[%add3A_4] : memref<2097152xi32, #tpu.memory_space<hbm>> -> memref<4096xi32, #tpu.memory_space<hbm>>
    tpu.enqueue_dma source(%dma_start3A_13 : memref<4096xi32, #tpu.memory_space<hbm>>) target(%arg11 : memref<4096xi32, #tpu.memory_space<vmem>>) target_semaphore(%arg13 : memref<!tpu.dma_semaphore, #tpu.memory_space<semaphore_mem>>)
    %broadcast_in_dim3A = arith.constant 0.000000e+00 : f32
    %broadcast_in_dim3A_14 = vector.broadcast %broadcast_in_dim3A : f32 to vector<16xf32>
    %scan3A = arith.constant 0 : i32
    %scan3A_15 = arith.constant 4 : i32
    %scan3A_16 = arith.addi %scan3A, %scan3A_15 : i32
    %scan3A_17 = arith.constant 1 : i32
    %scan3A_18:2 = scf.for %scan3A_23 = %scan3A to %scan3A_16 step %scan3A_17 iter_args(%scan3A_24 = %broadcast_in_dim3A_14, %scan3A_25 = %broadcast_in_dim3A_14) -> (vector<16xf32>, vector<16xf32>)  : i32 {
      %mul3A_26 = arith.constant 2 : i32
      %mul3A_27 = arith.muli %scan3A_23, %mul3A_26 : i32
      %add3A_28 = arith.constant 1 : i32
      %add3A_29 = arith.addi %mul3A_27, %add3A_28 : i32
      %mul3A_30 = arith.constant 4096 : i32
      %mul3A_31 = arith.muli %add3A_29, %mul3A_30 : i32
      %add3A_32 = arith.addi %mul3A_2, %mul3A_31 : i32
      %mul3A_33 = arith.constant 4 : i32
      %mul3A_34 = arith.muli %add3A_32, %mul3A_33 : i32
      %dma_start3A_35 = tpu.memref_slice %arg2[%mul3A_34] : memref<8388608xf32, #tpu.memory_space<hbm>> -> memref<16384xf32, #tpu.memory_space<hbm>>
      %dma_start3A_36 = tpu.memref_slice %arg2[%mul3A_34] : memref<8388608xf32, #tpu.memory_space<hbm>> -> memref<16384xf32, #tpu.memory_space<hbm>>
      tpu.enqueue_dma source(%dma_start3A_36 : memref<16384xf32, #tpu.memory_space<hbm>>) target(%arg8 : memref<16384xf32, #tpu.memory_space<vmem>>) target_semaphore(%arg14 : memref<!tpu.dma_semaphore, #tpu.memory_space<semaphore_mem>>)
      %mul3A_37 = arith.constant 4 : i32
      %mul3A_38 = arith.muli %add3A_32, %mul3A_37 : i32
      %dma_start3A_39 = tpu.memref_slice %arg3[%mul3A_38] : memref<8388608xf32, #tpu.memory_space<hbm>> -> memref<16384xf32, #tpu.memory_space<hbm>>
      %dma_start3A_40 = tpu.memref_slice %arg3[%mul3A_38] : memref<8388608xf32, #tpu.memory_space<hbm>> -> memref<16384xf32, #tpu.memory_space<hbm>>
      tpu.enqueue_dma source(%dma_start3A_40 : memref<16384xf32, #tpu.memory_space<hbm>>) target(%arg10 : memref<16384xf32, #tpu.memory_space<vmem>>) target_semaphore(%arg14 : memref<!tpu.dma_semaphore, #tpu.memory_space<semaphore_mem>>)
      %dma_start3A_41 = tpu.memref_slice %arg4[%add3A_32] : memref<2097152xi32, #tpu.memory_space<hbm>> -> memref<4096xi32, #tpu.memory_space<hbm>>
      %dma_start3A_42 = tpu.memref_slice %arg4[%add3A_32] : memref<2097152xi32, #tpu.memory_space<hbm>> -> memref<4096xi32, #tpu.memory_space<hbm>>
      tpu.enqueue_dma source(%dma_start3A_42 : memref<4096xi32, #tpu.memory_space<hbm>>) target(%arg12 : memref<4096xi32, #tpu.memory_space<vmem>>) target_semaphore(%arg14 : memref<!tpu.dma_semaphore, #tpu.memory_space<semaphore_mem>>)
      %mul3A_43 = arith.constant 4096 : i32
      %mul3A_44 = arith.muli %mul3A_27, %mul3A_43 : i32
      %add3A_45 = arith.addi %mul3A_2, %mul3A_44 : i32
      %mul3A_46 = arith.constant 4 : i32
      %mul3A_47 = arith.muli %add3A_45, %mul3A_46 : i32
      %dma_wait3A = tpu.memref_slice %arg2[%mul3A_47] : memref<8388608xf32, #tpu.memory_space<hbm>> -> memref<16384xf32, #tpu.memory_space<hbm>>
      %dma_wait3A_48 = tpu.memref_slice %arg2[%mul3A_47] : memref<8388608xf32, #tpu.memory_space<hbm>> -> memref<16384xf32, #tpu.memory_space<hbm>>
      tpu.wait_dma2 semaphore(%arg13 : memref<!tpu.dma_semaphore, #tpu.memory_space<semaphore_mem>>) src(%dma_wait3A_48 : memref<16384xf32, #tpu.memory_space<hbm>>) dst(%arg7 : memref<16384xf32, #tpu.memory_space<vmem>>)
      %mul3A_49 = arith.constant 4 : i32
      %mul3A_50 = arith.muli %add3A_45, %mul3A_49 : i32
      %dma_wait3A_51 = tpu.memref_slice %arg3[%mul3A_50] : memref<8388608xf32, #tpu.memory_space<hbm>> -> memref<16384xf32, #tpu.memory_space<hbm>>
      %dma_wait3A_52 = tpu.memref_slice %arg3[%mul3A_50] : memref<8388608xf32, #tpu.memory_space<hbm>> -> memref<16384xf32, #tpu.memory_space<hbm>>
      tpu.wait_dma2 semaphore(%arg13 : memref<!tpu.dma_semaphore, #tpu.memory_space<semaphore_mem>>) src(%dma_wait3A_52 : memref<16384xf32, #tpu.memory_space<hbm>>) dst(%arg9 : memref<16384xf32, #tpu.memory_space<vmem>>)
      %dma_wait3A_53 = tpu.memref_slice %arg4[%add3A_45] : memref<2097152xi32, #tpu.memory_space<hbm>> -> memref<4096xi32, #tpu.memory_space<hbm>>
      %dma_wait3A_54 = tpu.memref_slice %arg4[%add3A_45] : memref<2097152xi32, #tpu.memory_space<hbm>> -> memref<4096xi32, #tpu.memory_space<hbm>>
      tpu.wait_dma2 semaphore(%arg13 : memref<!tpu.dma_semaphore, #tpu.memory_space<semaphore_mem>>) src(%dma_wait3A_54 : memref<4096xi32, #tpu.memory_space<hbm>>) dst(%arg11 : memref<4096xi32, #tpu.memory_space<vmem>>)
      %scan3A_55 = arith.constant 0 : i32
      %scan3A_56 = arith.constant 256 : i32
      %scan3A_57 = arith.addi %scan3A_55, %scan3A_56 : i32
      %scan3A_58 = arith.constant 1 : i32
      %scan3A_59:2 = scf.for %scan3A_86 = %scan3A_55 to %scan3A_57 step %scan3A_58 iter_args(%scan3A_87 = %scan3A_24, %scan3A_88 = %scan3A_25) -> (vector<16xf32>, vector<16xf32>)  : i32 {
        %mul3A_89 = arith.constant 16 : i32
        %mul3A_90 = arith.muli %scan3A_86, %mul3A_89 : i32
        %get3A = arith.index_cast %mul3A_90 : i32 to index
        %get3A_91 = tpu.vector_load %arg11[%get3A] {strides = array<i32>} : memref<4096xi32, #tpu.memory_space<vmem>>, vector<16xi32>,
        %eq3A = arith.constant 1 : i32
        %eq3A_92 = vector.broadcast %eq3A : i32 to vector<16xi32>
        %eq3A_93 = arith.cmpi eq, %get3A_91, %eq3A_92 : vector<16xi32>
        %jit3A = arith.constant 1.000000e+00 : f32
        %jit3A_94 = arith.constant 0.000000e+00 : f32
        %broadcast_in_dim3A_95 = vector.broadcast %jit3A : f32 to vector<16xf32>
        %broadcast_in_dim3A_96 = vector.broadcast %jit3A_94 : f32 to vector<16xf32>
        %select_n3A = arith.select %eq3A_93, %broadcast_in_dim3A_95, %broadcast_in_dim3A_96 : vector<16xi1>, vector<16xf32>
        %shift_right_arithmetic3A = arith.constant 3 : i32
        %shift_right_arithmetic3A_97 = arith.shrsi %scan3A_86, %shift_right_arithmetic3A : i32
        %mul3A_98 = arith.constant 512 : i32
        %mul3A_99 = arith.muli %shift_right_arithmetic3A_97, %mul3A_98 : i32
        %and3A = arith.constant 7 : i32
        %and3A_100 = arith.andi %scan3A_86, %and3A : i32
        %mul3A_101 = arith.constant 16 : i32
        %mul3A_102 = arith.muli %and3A_100, %mul3A_101 : i32
        %add3A_103 = arith.addi %mul3A_99, %mul3A_102 : i32
        %broadcast_in_dim3A_104 = arith.constant 0.000000e+00 : f32
        %broadcast_in_dim3A_105 = vector.broadcast %broadcast_in_dim3A_104 : f32 to vector<16xf32>
        %add3A_106 = arith.constant 0 : i32
        %add3A_107 = arith.addi %add3A_103, %add3A_106 : i32
        %get3A_108 = arith.index_cast %add3A_107 : i32 to index
        %get3A_109 = tpu.vector_load %arg7[%get3A_108] {strides = array<i32>} : memref<16384xf32, #tpu.memory_space<vmem>>, vector<16xf32>,
        %add3A_110 = arith.constant 0 : i32
        %add3A_111 = arith.addi %add3A_103, %add3A_110 : i32
        %get3A_112 = arith.index_cast %add3A_111 : i32 to index
        %get3A_113 = tpu.vector_load %arg9[%get3A_112] {strides = array<i32>} : memref<16384xf32, #tpu.memory_space<vmem>>, vector<16xf32>,
        %sub3A = arith.subf %get3A_109, %get3A_113 : vector<16xf32>
        %abs3A = math.absf %sub3A : vector<16xf32>
        %min3A = arith.constant 1.000000e+00 : f32
        %min3A_114 = vector.broadcast %min3A : f32 to vector<16xf32>
        %min3A_115 = arith.minimumf %abs3A, %min3A_114 : vector<16xf32>
        %mul3A_116 = arith.constant 5.000000e-01 : f32
        %mul3A_117 = vector.broadcast %mul3A_116 : f32 to vector<16xf32>
        %mul3A_118 = arith.mulf %mul3A_117, %min3A_115 : vector<16xf32>
        %sub3A_119 = arith.subf %abs3A, %mul3A_118 : vector<16xf32>
        %mul3A_120 = arith.mulf %min3A_115, %sub3A_119 : vector<16xf32>
        %add3A_121 = arith.addf %broadcast_in_dim3A_105, %mul3A_120 : vector<16xf32>
        %add3A_122 = arith.constant 128 : i32
        %add3A_123 = arith.addi %add3A_103, %add3A_122 : i32
        %get3A_124 = arith.index_cast %add3A_123 : i32 to index
        %get3A_125 = tpu.vector_load %arg7[%get3A_124] {strides = array<i32>} : memref<16384xf32, #tpu.memory_space<vmem>>, vector<16xf32>,
        %add3A_126 = arith.constant 128 : i32
        %add3A_127 = arith.addi %add3A_103, %add3A_126 : i32
        %get3A_128 = arith.index_cast %add3A_127 : i32 to index
        %get3A_129 = tpu.vector_load %arg9[%get3A_128] {strides = array<i32>} : memref<16384xf32, #tpu.memory_space<vmem>>, vector<16xf32>,
        %sub3A_130 = arith.subf %get3A_125, %get3A_129 : vector<16xf32>
        %abs3A_131 = math.absf %sub3A_130 : vector<16xf32>
        %min3A_132 = arith.constant 1.000000e+00 : f32
        %min3A_133 = vector.broadcast %min3A_132 : f32 to vector<16xf32>
        %min3A_134 = arith.minimumf %abs3A_131, %min3A_133 : vector<16xf32>
        %mul3A_135 = arith.constant 5.000000e-01 : f32
        %mul3A_136 = vector.broadcast %mul3A_135 : f32 to vector<16xf32>
        %mul3A_137 = arith.mulf %mul3A_136, %min3A_134 : vector<16xf32>
        %sub3A_138 = arith.subf %abs3A_131, %mul3A_137 : vector<16xf32>
        %mul3A_139 = arith.mulf %min3A_134, %sub3A_138 : vector<16xf32>
        %add3A_140 = arith.addf %add3A_121, %mul3A_139 : vector<16xf32>
        %add3A_141 = arith.constant 256 : i32
        %add3A_142 = arith.addi %add3A_103, %add3A_141 : i32
        %get3A_143 = arith.index_cast %add3A_142 : i32 to index
        %get3A_144 = tpu.vector_load %arg7[%get3A_143] {strides = array<i32>} : memref<16384xf32, #tpu.memory_space<vmem>>, vector<16xf32>,
        %add3A_145 = arith.constant 256 : i32
        %add3A_146 = arith.addi %add3A_103, %add3A_145 : i32
        %get3A_147 = arith.index_cast %add3A_146 : i32 to index
        %get3A_148 = tpu.vector_load %arg9[%get3A_147] {strides = array<i32>} : memref<16384xf32, #tpu.memory_space<vmem>>, vector<16xf32>,
        %sub3A_149 = arith.subf %get3A_144, %get3A_148 : vector<16xf32>
        %abs3A_150 = math.absf %sub3A_149 : vector<16xf32>
        %min3A_151 = arith.constant 1.000000e+00 : f32
        %min3A_152 = vector.broadcast %min3A_151 : f32 to vector<16xf32>
        %min3A_153 = arith.minimumf %abs3A_150, %min3A_152 : vector<16xf32>
        %mul3A_154 = arith.constant 5.000000e-01 : f32
        %mul3A_155 = vector.broadcast %mul3A_154 : f32 to vector<16xf32>
        %mul3A_156 = arith.mulf %mul3A_155, %min3A_153 : vector<16xf32>
        %sub3A_157 = arith.subf %abs3A_150, %mul3A_156 : vector<16xf32>
        %mul3A_158 = arith.mulf %min3A_153, %sub3A_157 : vector<16xf32>
        %add3A_159 = arith.addf %add3A_140, %mul3A_158 : vector<16xf32>
        %add3A_160 = arith.constant 384 : i32
        %add3A_161 = arith.addi %add3A_103, %add3A_160 : i32
        %get3A_162 = arith.index_cast %add3A_161 : i32 to index
        %get3A_163 = tpu.vector_load %arg7[%get3A_162] {strides = array<i32>} : memref<16384xf32, #tpu.memory_space<vmem>>, vector<16xf32>,
        %add3A_164 = arith.constant 384 : i32
        %add3A_165 = arith.addi %add3A_103, %add3A_164 : i32
        %get3A_166 = arith.index_cast %add3A_165 : i32 to index
        %get3A_167 = tpu.vector_load %arg9[%get3A_166] {strides = array<i32>} : memref<16384xf32, #tpu.memory_space<vmem>>, vector<16xf32>,
        %sub3A_168 = arith.subf %get3A_163, %get3A_167 : vector<16xf32>
        %abs3A_169 = math.absf %sub3A_168 : vector<16xf32>
        %min3A_170 = arith.constant 1.000000e+00 : f32
        %min3A_171 = vector.broadcast %min3A_170 : f32 to vector<16xf32>
        %min3A_172 = arith.minimumf %abs3A_169, %min3A_171 : vector<16xf32>
        %mul3A_173 = arith.constant 5.000000e-01 : f32
        %mul3A_174 = vector.broadcast %mul3A_173 : f32 to vector<16xf32>
        %mul3A_175 = arith.mulf %mul3A_174, %min3A_172 : vector<16xf32>
        %sub3A_176 = arith.subf %abs3A_169, %mul3A_175 : vector<16xf32>
        %mul3A_177 = arith.mulf %min3A_172, %sub3A_176 : vector<16xf32>
        %add3A_178 = arith.addf %add3A_159, %mul3A_177 : vector<16xf32>
        %mul3A_179 = arith.mulf %select_n3A, %add3A_178 : vector<16xf32>
        %add3A_180 = arith.addf %scan3A_87, %mul3A_179 : vector<16xf32>
        %add3A_181 = arith.addf %scan3A_88, %select_n3A : vector<16xf32>
        scf.yield %add3A_180, %add3A_181 : vector<16xf32>, vector<16xf32>
      }
      %scan3A_60 = arith.constant 256 : i32
      %add3A_61 = arith.constant 2 : i32
      %add3A_62 = arith.addi %mul3A_27, %add3A_61 : i32
      %lt3A = arith.constant 8 : i32
      %lt3A_63 = arith.cmpi slt, %add3A_62, %lt3A : i32
      %convert_element_type3A = arith.extui %lt3A_63 : i1 to i32
      %cond3A = arith.constant 0 : i32
      %cond3A_64 = arith.cmpi ne, %convert_element_type3A, %cond3A : i32
      scf.if %cond3A_64 {
        %add3A_86 = arith.constant 2 : i32
        %add3A_87 = arith.addi %mul3A_27, %add3A_86 : i32
        %mul3A_88 = arith.constant 4096 : i32
        %mul3A_89 = arith.muli %add3A_87, %mul3A_88 : i32
        %add3A_90 = arith.addi %mul3A_2, %mul3A_89 : i32
        %mul3A_91 = arith.constant 4 : i32
        %mul3A_92 = arith.muli %add3A_90, %mul3A_91 : i32
        %dma_start3A_93 = tpu.memref_slice %arg2[%mul3A_92] : memref<8388608xf32, #tpu.memory_space<hbm>> -> memref<16384xf32, #tpu.memory_space<hbm>>
        %dma_start3A_94 = tpu.memref_slice %arg2[%mul3A_92] : memref<8388608xf32, #tpu.memory_space<hbm>> -> memref<16384xf32, #tpu.memory_space<hbm>>
        tpu.enqueue_dma source(%dma_start3A_94 : memref<16384xf32, #tpu.memory_space<hbm>>) target(%arg7 : memref<16384xf32, #tpu.memory_space<vmem>>) target_semaphore(%arg13 : memref<!tpu.dma_semaphore, #tpu.memory_space<semaphore_mem>>)
        %mul3A_95 = arith.constant 4 : i32
        %mul3A_96 = arith.muli %add3A_90, %mul3A_95 : i32
        %dma_start3A_97 = tpu.memref_slice %arg3[%mul3A_96] : memref<8388608xf32, #tpu.memory_space<hbm>> -> memref<16384xf32, #tpu.memory_space<hbm>>
        %dma_start3A_98 = tpu.memref_slice %arg3[%mul3A_96] : memref<8388608xf32, #tpu.memory_space<hbm>> -> memref<16384xf32, #tpu.memory_space<hbm>>
        tpu.enqueue_dma source(%dma_start3A_98 : memref<16384xf32, #tpu.memory_space<hbm>>) target(%arg9 : memref<16384xf32, #tpu.memory_space<vmem>>) target_semaphore(%arg13 : memref<!tpu.dma_semaphore, #tpu.memory_space<semaphore_mem>>)
        %dma_start3A_99 = tpu.memref_slice %arg4[%add3A_90] : memref<2097152xi32, #tpu.memory_space<hbm>> -> memref<4096xi32, #tpu.memory_space<hbm>>
        %dma_start3A_100 = tpu.memref_slice %arg4[%add3A_90] : memref<2097152xi32, #tpu.memory_space<hbm>> -> memref<4096xi32, #tpu.memory_space<hbm>>
        tpu.enqueue_dma source(%dma_start3A_100 : memref<4096xi32, #tpu.memory_space<hbm>>) target(%arg11 : memref<4096xi32, #tpu.memory_space<vmem>>) target_semaphore(%arg13 : memref<!tpu.dma_semaphore, #tpu.memory_space<semaphore_mem>>)
      } else {
      }
      %add3A_65 = arith.constant 1 : i32
      %add3A_66 = arith.addi %mul3A_27, %add3A_65 : i32
      %mul3A_67 = arith.constant 4096 : i32
      %mul3A_68 = arith.muli %add3A_66, %mul3A_67 : i32
      %add3A_69 = arith.addi %mul3A_2, %mul3A_68 : i32
      %mul3A_70 = arith.constant 4 : i32
      %mul3A_71 = arith.muli %add3A_69, %mul3A_70 : i32
      %dma_wait3A_72 = tpu.memref_slice %arg2[%mul3A_71] : memref<8388608xf32, #tpu.memory_space<hbm>> -> memref<16384xf32, #tpu.memory_space<hbm>>
      %dma_wait3A_73 = tpu.memref_slice %arg2[%mul3A_71] : memref<8388608xf32, #tpu.memory_space<hbm>> -> memref<16384xf32, #tpu.memory_space<hbm>>
      tpu.wait_dma2 semaphore(%arg14 : memref<!tpu.dma_semaphore, #tpu.memory_space<semaphore_mem>>) src(%dma_wait3A_73 : memref<16384xf32, #tpu.memory_space<hbm>>) dst(%arg8 : memref<16384xf32, #tpu.memory_space<vmem>>)
      %mul3A_74 = arith.constant 4 : i32
      %mul3A_75 = arith.muli %add3A_69, %mul3A_74 : i32
      %dma_wait3A_76 = tpu.memref_slice %arg3[%mul3A_75] : memref<8388608xf32, #tpu.memory_space<hbm>> -> memref<16384xf32, #tpu.memory_space<hbm>>
      %dma_wait3A_77 = tpu.memref_slice %arg3[%mul3A_75] : memref<8388608xf32, #tpu.memory_space<hbm>> -> memref<16384xf32, #tpu.memory_space<hbm>>
      tpu.wait_dma2 semaphore(%arg14 : memref<!tpu.dma_semaphore, #tpu.memory_space<semaphore_mem>>) src(%dma_wait3A_77 : memref<16384xf32, #tpu.memory_space<hbm>>) dst(%arg10 : memref<16384xf32, #tpu.memory_space<vmem>>)
      %dma_wait3A_78 = tpu.memref_slice %arg4[%add3A_69] : memref<2097152xi32, #tpu.memory_space<hbm>> -> memref<4096xi32, #tpu.memory_space<hbm>>
      %dma_wait3A_79 = tpu.memref_slice %arg4[%add3A_69] : memref<2097152xi32, #tpu.memory_space<hbm>> -> memref<4096xi32, #tpu.memory_space<hbm>>
      tpu.wait_dma2 semaphore(%arg14 : memref<!tpu.dma_semaphore, #tpu.memory_space<semaphore_mem>>) src(%dma_wait3A_79 : memref<4096xi32, #tpu.memory_space<hbm>>) dst(%arg12 : memref<4096xi32, #tpu.memory_space<vmem>>)
      %scan3A_80 = arith.constant 0 : i32
      %scan3A_81 = arith.constant 256 : i32
      %scan3A_82 = arith.addi %scan3A_80, %scan3A_81 : i32
      %scan3A_83 = arith.constant 1 : i32
      %scan3A_84:2 = scf.for %scan3A_86 = %scan3A_80 to %scan3A_82 step %scan3A_83 iter_args(%scan3A_87 = %scan3A_59#0, %scan3A_88 = %scan3A_59#1) -> (vector<16xf32>, vector<16xf32>)  : i32 {
        %mul3A_89 = arith.constant 16 : i32
        %mul3A_90 = arith.muli %scan3A_86, %mul3A_89 : i32
        %get3A = arith.index_cast %mul3A_90 : i32 to index
        %get3A_91 = tpu.vector_load %arg12[%get3A] {strides = array<i32>} : memref<4096xi32, #tpu.memory_space<vmem>>, vector<16xi32>,
        %eq3A = arith.constant 1 : i32
        %eq3A_92 = vector.broadcast %eq3A : i32 to vector<16xi32>
        %eq3A_93 = arith.cmpi eq, %get3A_91, %eq3A_92 : vector<16xi32>
        %jit3A = arith.constant 1.000000e+00 : f32
        %jit3A_94 = arith.constant 0.000000e+00 : f32
        %broadcast_in_dim3A_95 = vector.broadcast %jit3A : f32 to vector<16xf32>
        %broadcast_in_dim3A_96 = vector.broadcast %jit3A_94 : f32 to vector<16xf32>
        %select_n3A = arith.select %eq3A_93, %broadcast_in_dim3A_95, %broadcast_in_dim3A_96 : vector<16xi1>, vector<16xf32>
        %shift_right_arithmetic3A = arith.constant 3 : i32
        %shift_right_arithmetic3A_97 = arith.shrsi %scan3A_86, %shift_right_arithmetic3A : i32
        %mul3A_98 = arith.constant 512 : i32
        %mul3A_99 = arith.muli %shift_right_arithmetic3A_97, %mul3A_98 : i32
        %and3A = arith.constant 7 : i32
        %and3A_100 = arith.andi %scan3A_86, %and3A : i32
        %mul3A_101 = arith.constant 16 : i32
        %mul3A_102 = arith.muli %and3A_100, %mul3A_101 : i32
        %add3A_103 = arith.addi %mul3A_99, %mul3A_102 : i32
        %broadcast_in_dim3A_104 = arith.constant 0.000000e+00 : f32
        %broadcast_in_dim3A_105 = vector.broadcast %broadcast_in_dim3A_104 : f32 to vector<16xf32>
        %add3A_106 = arith.constant 0 : i32
        %add3A_107 = arith.addi %add3A_103, %add3A_106 : i32
        %get3A_108 = arith.index_cast %add3A_107 : i32 to index
        %get3A_109 = tpu.vector_load %arg8[%get3A_108] {strides = array<i32>} : memref<16384xf32, #tpu.memory_space<vmem>>, vector<16xf32>,
        %add3A_110 = arith.constant 0 : i32
        %add3A_111 = arith.addi %add3A_103, %add3A_110 : i32
        %get3A_112 = arith.index_cast %add3A_111 : i32 to index
        %get3A_113 = tpu.vector_load %arg10[%get3A_112] {strides = array<i32>} : memref<16384xf32, #tpu.memory_space<vmem>>, vector<16xf32>,
        %sub3A = arith.subf %get3A_109, %get3A_113 : vector<16xf32>
        %abs3A = math.absf %sub3A : vector<16xf32>
        %min3A = arith.constant 1.000000e+00 : f32
        %min3A_114 = vector.broadcast %min3A : f32 to vector<16xf32>
        %min3A_115 = arith.minimumf %abs3A, %min3A_114 : vector<16xf32>
        %mul3A_116 = arith.constant 5.000000e-01 : f32
        %mul3A_117 = vector.broadcast %mul3A_116 : f32 to vector<16xf32>
        %mul3A_118 = arith.mulf %mul3A_117, %min3A_115 : vector<16xf32>
        %sub3A_119 = arith.subf %abs3A, %mul3A_118 : vector<16xf32>
        %mul3A_120 = arith.mulf %min3A_115, %sub3A_119 : vector<16xf32>
        %add3A_121 = arith.addf %broadcast_in_dim3A_105, %mul3A_120 : vector<16xf32>
        %add3A_122 = arith.constant 128 : i32
        %add3A_123 = arith.addi %add3A_103, %add3A_122 : i32
        %get3A_124 = arith.index_cast %add3A_123 : i32 to index
        %get3A_125 = tpu.vector_load %arg8[%get3A_124] {strides = array<i32>} : memref<16384xf32, #tpu.memory_space<vmem>>, vector<16xf32>,
        %add3A_126 = arith.constant 128 : i32
        %add3A_127 = arith.addi %add3A_103, %add3A_126 : i32
        %get3A_128 = arith.index_cast %add3A_127 : i32 to index
        %get3A_129 = tpu.vector_load %arg10[%get3A_128] {strides = array<i32>} : memref<16384xf32, #tpu.memory_space<vmem>>, vector<16xf32>,
        %sub3A_130 = arith.subf %get3A_125, %get3A_129 : vector<16xf32>
        %abs3A_131 = math.absf %sub3A_130 : vector<16xf32>
        %min3A_132 = arith.constant 1.000000e+00 : f32
        %min3A_133 = vector.broadcast %min3A_132 : f32 to vector<16xf32>
        %min3A_134 = arith.minimumf %abs3A_131, %min3A_133 : vector<16xf32>
        %mul3A_135 = arith.constant 5.000000e-01 : f32
        %mul3A_136 = vector.broadcast %mul3A_135 : f32 to vector<16xf32>
        %mul3A_137 = arith.mulf %mul3A_136, %min3A_134 : vector<16xf32>
        %sub3A_138 = arith.subf %abs3A_131, %mul3A_137 : vector<16xf32>
        %mul3A_139 = arith.mulf %min3A_134, %sub3A_138 : vector<16xf32>
        %add3A_140 = arith.addf %add3A_121, %mul3A_139 : vector<16xf32>
        %add3A_141 = arith.constant 256 : i32
        %add3A_142 = arith.addi %add3A_103, %add3A_141 : i32
        %get3A_143 = arith.index_cast %add3A_142 : i32 to index
        %get3A_144 = tpu.vector_load %arg8[%get3A_143] {strides = array<i32>} : memref<16384xf32, #tpu.memory_space<vmem>>, vector<16xf32>,
        %add3A_145 = arith.constant 256 : i32
        %add3A_146 = arith.addi %add3A_103, %add3A_145 : i32
        %get3A_147 = arith.index_cast %add3A_146 : i32 to index
        %get3A_148 = tpu.vector_load %arg10[%get3A_147] {strides = array<i32>} : memref<16384xf32, #tpu.memory_space<vmem>>, vector<16xf32>,
        %sub3A_149 = arith.subf %get3A_144, %get3A_148 : vector<16xf32>
        %abs3A_150 = math.absf %sub3A_149 : vector<16xf32>
        %min3A_151 = arith.constant 1.000000e+00 : f32
        %min3A_152 = vector.broadcast %min3A_151 : f32 to vector<16xf32>
        %min3A_153 = arith.minimumf %abs3A_150, %min3A_152 : vector<16xf32>
        %mul3A_154 = arith.constant 5.000000e-01 : f32
        %mul3A_155 = vector.broadcast %mul3A_154 : f32 to vector<16xf32>
        %mul3A_156 = arith.mulf %mul3A_155, %min3A_153 : vector<16xf32>
        %sub3A_157 = arith.subf %abs3A_150, %mul3A_156 : vector<16xf32>
        %mul3A_158 = arith.mulf %min3A_153, %sub3A_157 : vector<16xf32>
        %add3A_159 = arith.addf %add3A_140, %mul3A_158 : vector<16xf32>
        %add3A_160 = arith.constant 384 : i32
        %add3A_161 = arith.addi %add3A_103, %add3A_160 : i32
        %get3A_162 = arith.index_cast %add3A_161 : i32 to index
        %get3A_163 = tpu.vector_load %arg8[%get3A_162] {strides = array<i32>} : memref<16384xf32, #tpu.memory_space<vmem>>, vector<16xf32>,
        %add3A_164 = arith.constant 384 : i32
        %add3A_165 = arith.addi %add3A_103, %add3A_164 : i32
        %get3A_166 = arith.index_cast %add3A_165 : i32 to index
        %get3A_167 = tpu.vector_load %arg10[%get3A_166] {strides = array<i32>} : memref<16384xf32, #tpu.memory_space<vmem>>, vector<16xf32>,
        %sub3A_168 = arith.subf %get3A_163, %get3A_167 : vector<16xf32>
        %abs3A_169 = math.absf %sub3A_168 : vector<16xf32>
        %min3A_170 = arith.constant 1.000000e+00 : f32
        %min3A_171 = vector.broadcast %min3A_170 : f32 to vector<16xf32>
        %min3A_172 = arith.minimumf %abs3A_169, %min3A_171 : vector<16xf32>
        %mul3A_173 = arith.constant 5.000000e-01 : f32
        %mul3A_174 = vector.broadcast %mul3A_173 : f32 to vector<16xf32>
        %mul3A_175 = arith.mulf %mul3A_174, %min3A_172 : vector<16xf32>
        %sub3A_176 = arith.subf %abs3A_169, %mul3A_175 : vector<16xf32>
        %mul3A_177 = arith.mulf %min3A_172, %sub3A_176 : vector<16xf32>
        %add3A_178 = arith.addf %add3A_159, %mul3A_177 : vector<16xf32>
        %mul3A_179 = arith.mulf %select_n3A, %add3A_178 : vector<16xf32>
        %add3A_180 = arith.addf %scan3A_87, %mul3A_179 : vector<16xf32>
        %add3A_181 = arith.addf %scan3A_88, %select_n3A : vector<16xf32>
        scf.yield %add3A_180, %add3A_181 : vector<16xf32>, vector<16xf32>
      }
      %scan3A_85 = arith.constant 256 : i32
      scf.yield %scan3A_84#0, %scan3A_84#1 : vector<16xf32>, vector<16xf32>
    }
    %scan3A_19 = arith.constant 4 : i32
    %swap3A = arith.constant 0 : index
    %swap3A_20 = tpu.vector_load %arg15[%swap3A] {strides = array<i32>} : memref<16xf32, #tpu.memory_space<vmem>>, vector<16xf32>,
    tpu.vector_store %arg15[%swap3A], %scan3A_18#0 {strides = array<i32>} : memref<16xf32, #tpu.memory_space<vmem>>, vector<16xf32>,
    "tpu.region"() ({
      %run_scoped3A = tpu.sem_alloc : memref<!tpu.dma_semaphore, #tpu.memory_space<semaphore_mem>>
      %dma_start3A_23 = arith.constant 0 : i32
      %dma_start3A_24 = tpu.memref_slice %arg5[%add3A, %dma_start3A_23] : memref<32x16xf32, #tpu.memory_space<hbm>> -> memref<1x16xf32, #tpu.memory_space<hbm>>
      %dma_start3A_25 = tpu.memref_squeeze %dma_start3A_24 : memref<1x16xf32, #tpu.memory_space<hbm>> -> memref<16xf32, #tpu.memory_space<hbm>>
      %dma_start3A_26 = arith.constant 0 : i32
      %dma_start3A_27 = tpu.memref_slice %arg5[%add3A, %dma_start3A_26] : memref<32x16xf32, #tpu.memory_space<hbm>> -> memref<1x16xf32, #tpu.memory_space<hbm>>
      %dma_start3A_28 = tpu.memref_squeeze %dma_start3A_27 : memref<1x16xf32, #tpu.memory_space<hbm>> -> memref<16xf32, #tpu.memory_space<hbm>>
      tpu.enqueue_dma source(%arg15 : memref<16xf32, #tpu.memory_space<vmem>>) target(%dma_start3A_28 : memref<16xf32, #tpu.memory_space<hbm>>) target_semaphore(%run_scoped3A : memref<!tpu.dma_semaphore, #tpu.memory_space<semaphore_mem>>)
      %dma_wait3A = arith.constant 0 : i32
      %dma_wait3A_29 = tpu.memref_slice %arg5[%add3A, %dma_wait3A] : memref<32x16xf32, #tpu.memory_space<hbm>> -> memref<1x16xf32, #tpu.memory_space<hbm>>
      %dma_wait3A_30 = tpu.memref_squeeze %dma_wait3A_29 : memref<1x16xf32, #tpu.memory_space<hbm>> -> memref<16xf32, #tpu.memory_space<hbm>>
      %dma_wait3A_31 = arith.constant 0 : i32
      %dma_wait3A_32 = tpu.memref_slice %arg5[%add3A, %dma_wait3A_31] : memref<32x16xf32, #tpu.memory_space<hbm>> -> memref<1x16xf32, #tpu.memory_space<hbm>>
      %dma_wait3A_33 = tpu.memref_squeeze %dma_wait3A_32 : memref<1x16xf32, #tpu.memory_space<hbm>> -> memref<16xf32, #tpu.memory_space<hbm>>
      tpu.wait_dma2 semaphore(%run_scoped3A : memref<!tpu.dma_semaphore, #tpu.memory_space<semaphore_mem>>) src(%arg15 : memref<16xf32, #tpu.memory_space<vmem>>) dst(%dma_wait3A_33 : memref<16xf32, #tpu.memory_space<hbm>>)
      tpu.yield
    }) : () -> ()
    %swap3A_21 = arith.constant 0 : index
    %swap3A_22 = tpu.vector_load %arg15[%swap3A_21] {strides = array<i32>} : memref<16xf32, #tpu.memory_space<vmem>>, vector<16xf32>,
    tpu.vector_store %arg15[%swap3A_21], %scan3A_18#1 {strides = array<i32>} : memref<16xf32, #tpu.memory_space<vmem>>, vector<16xf32>,
    "tpu.region"() ({
      %run_scoped3A = tpu.sem_alloc : memref<!tpu.dma_semaphore, #tpu.memory_space<semaphore_mem>>
      %dma_start3A_23 = arith.constant 0 : i32
      %dma_start3A_24 = tpu.memref_slice %arg6[%add3A, %dma_start3A_23] : memref<32x16xf32, #tpu.memory_space<hbm>> -> memref<1x16xf32, #tpu.memory_space<hbm>>
      %dma_start3A_25 = tpu.memref_squeeze %dma_start3A_24 : memref<1x16xf32, #tpu.memory_space<hbm>> -> memref<16xf32, #tpu.memory_space<hbm>>
      %dma_start3A_26 = arith.constant 0 : i32
      %dma_start3A_27 = tpu.memref_slice %arg6[%add3A, %dma_start3A_26] : memref<32x16xf32, #tpu.memory_space<hbm>> -> memref<1x16xf32, #tpu.memory_space<hbm>>
      %dma_start3A_28 = tpu.memref_squeeze %dma_start3A_27 : memref<1x16xf32, #tpu.memory_space<hbm>> -> memref<16xf32, #tpu.memory_space<hbm>>
      tpu.enqueue_dma source(%arg15 : memref<16xf32, #tpu.memory_space<vmem>>) target(%dma_start3A_28 : memref<16xf32, #tpu.memory_space<hbm>>) target_semaphore(%run_scoped3A : memref<!tpu.dma_semaphore, #tpu.memory_space<semaphore_mem>>)
      %dma_wait3A = arith.constant 0 : i32
      %dma_wait3A_29 = tpu.memref_slice %arg6[%add3A, %dma_wait3A] : memref<32x16xf32, #tpu.memory_space<hbm>> -> memref<1x16xf32, #tpu.memory_space<hbm>>
      %dma_wait3A_30 = tpu.memref_squeeze %dma_wait3A_29 : memref<1x16xf32, #tpu.memory_space<hbm>> -> memref<16xf32, #tpu.memory_space<hbm>>
      %dma_wait3A_31 = arith.constant 0 : i32
      %dma_wait3A_32 = tpu.memref_slice %arg6[%add3A, %dma_wait3A_31] : memref<32x16xf32, #tpu.memory_space<hbm>> -> memref<1x16xf32, #tpu.memory_space<hbm>>
      %dma_wait3A_33 = tpu.memref_squeeze %dma_wait3A_32 : memref<1x16xf32, #tpu.memory_space<hbm>> -> memref<16xf32, #tpu.memory_space<hbm>>
      tpu.wait_dma2 semaphore(%run_scoped3A : memref<!tpu.dma_semaphore, #tpu.memory_space<semaphore_mem>>) src(%arg15 : memref<16xf32, #tpu.memory_space<vmem>>) dst(%dma_wait3A_33 : memref<16xf32, #tpu.memory_space<hbm>>)
      tpu.yield
    }) : () -> ()
    return
  }
}

module attributes {stable_mosaic.version = 14 : i64} {
  func.func @_tc_kernel(%arg0: i32, %arg1: memref<512x8x128xf32, #tpu.memory_space<vmem>>, %arg2: memref<512x8x128xf32, #tpu.memory_space<vmem>>, %arg3: memref<1024x128xi32, #tpu.memory_space<vmem>>, %arg4: memref<2xf32, #tpu.memory_space<smem>>, %arg5: memref<2xf32, #tpu.memory_space<smem>>) attributes {dimension_semantics = [#tpu.dimension_semantics<arbitrary>], iteration_bounds = array<i64: 8>, scalar_prefetch = 0 : i64, scratch_operands = 1 : i64, tpu.core_type = #tpu.core_type<tc>, window_params = [{transform_indices = @transform_0, window_bounds = array<i64: 512, 8, 128>}, {transform_indices = @transform_1, window_bounds = array<i64: 512, 8, 128>}, {transform_indices = @transform_2, window_bounds = array<i64: 1024, 128>}, {transform_indices = @transform_3, window_bounds = array<i64: 2>}]} {
    %eq3A = arith.constant 0 : i32
    %eq3A_0 = arith.cmpi eq, %arg0, %eq3A : i32
    %convert_element_type3A = arith.extui %eq3A_0 : i1 to i32
    %cond3A = arith.constant 0 : i32
    %cond3A_1 = arith.cmpi ne, %convert_element_type3A, %cond3A : i32
    scf.if %cond3A_1 {
      %swap3A_49 = arith.constant 0.000000e+00 : f32
      %swap3A_50 = arith.constant 0 : index
      %swap3A_51 = memref.load %arg5[%swap3A_50] : memref<2xf32, #tpu.memory_space<smem>>
      memref.store %swap3A_49, %arg5[%swap3A_50] : memref<2xf32, #tpu.memory_space<smem>>
      %swap3A_52 = arith.constant 0.000000e+00 : f32
      %swap3A_53 = arith.constant 1 : index
      %swap3A_54 = memref.load %arg5[%swap3A_53] : memref<2xf32, #tpu.memory_space<smem>>
      memref.store %swap3A_52, %arg5[%swap3A_53] : memref<2xf32, #tpu.memory_space<smem>>
    } else {
    }
    %get3A = arith.constant 0 : index
    %get3A_2 = arith.constant 0 : index
    %get3A_3 = arith.constant 0 : index
    %get3A_4 = vector.load %arg1[%get3A, %get3A_2, %get3A_3] : memref<512x8x128xf32, #tpu.memory_space<vmem>>, vector<512x8x128xf32>
    %get3A_5 = arith.constant 0 : index
    %get3A_6 = arith.constant 0 : index
    %get3A_7 = arith.constant 0 : index
    %get3A_8 = vector.load %arg2[%get3A_5, %get3A_6, %get3A_7] : memref<512x8x128xf32, #tpu.memory_space<vmem>>, vector<512x8x128xf32>
    %sub3A = arith.subf %get3A_4, %get3A_8 : vector<512x8x128xf32>
    %abs3A = math.absf %sub3A : vector<512x8x128xf32>
    %min3A = arith.constant 1.000000e+00 : f32
    %min3A_9 = vector.broadcast %min3A : f32 to vector<512x8x128xf32>
    %min3A_10 = arith.minimumf %abs3A, %min3A_9 : vector<512x8x128xf32>
    %mul3A = arith.constant 5.000000e-01 : f32
    %mul3A_11 = vector.broadcast %mul3A : f32 to vector<512x8x128xf32>
    %mul3A_12 = arith.mulf %mul3A_11, %min3A_10 : vector<512x8x128xf32>
    %sub3A_13 = arith.subf %abs3A, %mul3A_12 : vector<512x8x128xf32>
    %mul3A_14 = arith.mulf %min3A_10, %sub3A_13 : vector<512x8x128xf32>
    %get3A_15 = arith.constant 0 : index
    %get3A_16 = arith.constant 0 : index
    %get3A_17 = vector.load %arg3[%get3A_15, %get3A_16] : memref<1024x128xi32, #tpu.memory_space<vmem>>, vector<1024x128xi32>
    %eq3A_18 = arith.constant 1 : i32
    %eq3A_19 = vector.broadcast %eq3A_18 : i32 to vector<1024x128xi32>
    %eq3A_20 = arith.cmpi eq, %get3A_17, %eq3A_19 : vector<1024x128xi32>
    %convert_element_type3A_21 = arith.extui %eq3A_20 : vector<1024x128xi1> to vector<1024x128xi32>
    %convert_element_type3A_22 = arith.sitofp %convert_element_type3A_21 : vector<1024x128xi32> to vector<1024x128xf32>
    %reshape3A = vector.shape_cast %convert_element_type3A_22 : vector<1024x128xf32> to vector<512x2x128xf32>
    %broadcast_in_dim3A = vector.shape_cast %reshape3A : vector<512x2x128xf32> to vector<512x2x1x128xf32>
    %broadcast_in_dim3A_23 = vector.shape_cast %broadcast_in_dim3A : vector<512x2x1x128xf32> to vector<512x2x1x128xf32>
    %broadcast_in_dim3A_24 = vector.broadcast %broadcast_in_dim3A_23 : vector<512x2x1x128xf32> to vector<512x2x4x128xf32>
    %reshape3A_25 = vector.shape_cast %broadcast_in_dim3A_24 : vector<512x2x4x128xf32> to vector<512x8x128xf32>
    %get3A_26 = arith.constant 0 : index
    %get3A_27 = memref.load %arg5[%get3A_26] : memref<2xf32, #tpu.memory_space<smem>>
    %mul3A_28 = arith.mulf %mul3A_14, %reshape3A_25 : vector<512x8x128xf32>
    %reduce_sum3A = vector.shape_cast %mul3A_28 : vector<512x8x128xf32> to vector<1x512x8x128xf32>
    %reduce_sum3A_29 = arith.constant dense<0.000000e+00> : vector<1xf32>
    %reduce_sum3A_30 = vector.multi_reduction <add>, %reduce_sum3A, %reduce_sum3A_29 [1, 2, 3] : vector<1x512x8x128xf32> to vector<1xf32>
    %reduce_sum3A_31 = vector.shape_cast %reduce_sum3A_30 : vector<1xf32> to vector<1x1x1x1xf32>
    %reduce_sum3A_32 = vector.extract %reduce_sum3A_31[0, 0, 0, 0] : f32 from vector<1x1x1x1xf32>
    %add3A = arith.addf %get3A_27, %reduce_sum3A_32 : f32
    %swap3A = arith.constant 0 : index
    %swap3A_33 = memref.load %arg5[%swap3A] : memref<2xf32, #tpu.memory_space<smem>>
    memref.store %add3A, %arg5[%swap3A] : memref<2xf32, #tpu.memory_space<smem>>
    %get3A_34 = arith.constant 1 : index
    %get3A_35 = memref.load %arg5[%get3A_34] : memref<2xf32, #tpu.memory_space<smem>>
    %reduce_sum3A_36 = vector.shape_cast %convert_element_type3A_22 : vector<1024x128xf32> to vector<1x1024x128xf32>
    %reduce_sum3A_37 = arith.constant dense<0.000000e+00> : vector<1xf32>
    %reduce_sum3A_38 = vector.multi_reduction <add>, %reduce_sum3A_36, %reduce_sum3A_37 [1, 2] : vector<1x1024x128xf32> to vector<1xf32>
    %reduce_sum3A_39 = vector.shape_cast %reduce_sum3A_38 : vector<1xf32> to vector<1x1x1xf32>
    %reduce_sum3A_40 = vector.extract %reduce_sum3A_39[0, 0, 0] : f32 from vector<1x1x1xf32>
    %add3A_41 = arith.addf %get3A_35, %reduce_sum3A_40 : f32
    %swap3A_42 = arith.constant 1 : index
    %swap3A_43 = memref.load %arg5[%swap3A_42] : memref<2xf32, #tpu.memory_space<smem>>
    memref.store %add3A_41, %arg5[%swap3A_42] : memref<2xf32, #tpu.memory_space<smem>>
    %eq3A_44 = arith.constant 7 : i32
    %eq3A_45 = arith.cmpi eq, %arg0, %eq3A_44 : i32
    %convert_element_type3A_46 = arith.extui %eq3A_45 : i1 to i32
    %cond3A_47 = arith.constant 0 : i32
    %cond3A_48 = arith.cmpi ne, %convert_element_type3A_46, %cond3A_47 : i32
    scf.if %cond3A_48 {
      %get3A_49 = arith.constant 0 : index
      %get3A_50 = memref.load %arg5[%get3A_49] : memref<2xf32, #tpu.memory_space<smem>>
      %swap3A_51 = arith.constant 0 : index
      %swap3A_52 = memref.load %arg4[%swap3A_51] : memref<2xf32, #tpu.memory_space<smem>>
      memref.store %get3A_50, %arg4[%swap3A_51] : memref<2xf32, #tpu.memory_space<smem>>
      %get3A_53 = arith.constant 1 : index
      %get3A_54 = memref.load %arg5[%get3A_53] : memref<2xf32, #tpu.memory_space<smem>>
      %swap3A_55 = arith.constant 1 : index
      %swap3A_56 = memref.load %arg4[%swap3A_55] : memref<2xf32, #tpu.memory_space<smem>>
      memref.store %get3A_54, %arg4[%swap3A_55] : memref<2xf32, #tpu.memory_space<smem>>
    } else {
    }
    return
  }
  func.func @transform_0(%arg0: i32) -> (i32, i32, i32) {
    %add3A = arith.constant 8 : i32
    %add3A_0 = arith.addi %arg0, %add3A : i32
    %c0_i32 = arith.constant 0 : i32
    %c0_i32_1 = arith.constant 0 : i32
    %c0_i32_2 = arith.constant 0 : i32
    return %add3A_0, %c0_i32, %c0_i32_1 : i32, i32, i32
  }
  func.func @transform_1(%arg0: i32) -> (i32, i32, i32) {
    %add3A = arith.constant 8 : i32
    %add3A_0 = arith.addi %arg0, %add3A : i32
    %c0_i32 = arith.constant 0 : i32
    %c0_i32_1 = arith.constant 0 : i32
    %c0_i32_2 = arith.constant 0 : i32
    return %add3A_0, %c0_i32, %c0_i32_1 : i32, i32, i32
  }
  func.func @transform_2(%arg0: i32) -> (i32, i32) {
    %add3A = arith.constant 8 : i32
    %add3A_0 = arith.addi %arg0, %add3A : i32
    %c0_i32 = arith.constant 0 : i32
    %c0_i32_1 = arith.constant 0 : i32
    return %add3A_0, %c0_i32 : i32, i32
  }
  func.func @transform_3(%arg0: i32) -> i32 {
    %c0_i32 = arith.constant 0 : i32
    %c0_i32_0 = arith.constant 0 : i32
    return %c0_i32 : i32
  }
}

module attributes {stable_mosaic.version = 14 : i64} {
  func.func @_finish_kernel(%arg0: memref<32x16xf32, #tpu.memory_space<vmem>>, %arg1: memref<32x16xf32, #tpu.memory_space<vmem>>, %arg2: memref<2xf32, #tpu.memory_space<smem>>, %arg3: memref<1xf32, #tpu.memory_space<smem>>) attributes {dimension_semantics = [], scalar_prefetch = 0 : i64, scratch_operands = 0 : i64, tpu.core_type = #tpu.core_type<tc>} {
    %get3A = arith.constant 0 : index
    %get3A_0 = arith.constant 0 : index
    %get3A_1 = vector.load %arg0[%get3A, %get3A_0] : memref<32x16xf32, #tpu.memory_space<vmem>>, vector<32x16xf32>
    %reduce_sum3A = vector.shape_cast %get3A_1 : vector<32x16xf32> to vector<1x32x16xf32>
    %reduce_sum3A_2 = arith.constant dense<0.000000e+00> : vector<1xf32>
    %reduce_sum3A_3 = vector.multi_reduction <add>, %reduce_sum3A, %reduce_sum3A_2 [1, 2] : vector<1x32x16xf32> to vector<1xf32>
    %reduce_sum3A_4 = vector.shape_cast %reduce_sum3A_3 : vector<1xf32> to vector<1x1x1xf32>
    %reduce_sum3A_5 = vector.extract %reduce_sum3A_4[0, 0, 0] : f32 from vector<1x1x1xf32>
    %get3A_6 = arith.constant 0 : index
    %get3A_7 = memref.load %arg2[%get3A_6] : memref<2xf32, #tpu.memory_space<smem>>
    %add3A = arith.addf %reduce_sum3A_5, %get3A_7 : f32
    %get3A_8 = arith.constant 0 : index
    %get3A_9 = arith.constant 0 : index
    %get3A_10 = vector.load %arg1[%get3A_8, %get3A_9] : memref<32x16xf32, #tpu.memory_space<vmem>>, vector<32x16xf32>
    %reduce_sum3A_11 = vector.shape_cast %get3A_10 : vector<32x16xf32> to vector<1x32x16xf32>
    %reduce_sum3A_12 = arith.constant dense<0.000000e+00> : vector<1xf32>
    %reduce_sum3A_13 = vector.multi_reduction <add>, %reduce_sum3A_11, %reduce_sum3A_12 [1, 2] : vector<1x32x16xf32> to vector<1xf32>
    %reduce_sum3A_14 = vector.shape_cast %reduce_sum3A_13 : vector<1xf32> to vector<1x1x1xf32>
    %reduce_sum3A_15 = vector.extract %reduce_sum3A_14[0, 0, 0] : f32 from vector<1x1x1xf32>
    %get3A_16 = arith.constant 1 : index
    %get3A_17 = memref.load %arg2[%get3A_16] : memref<2xf32, #tpu.memory_space<smem>>
    %add3A_18 = arith.addf %reduce_sum3A_15, %get3A_17 : f32
    %mul3A = arith.constant 4.000000e+00 : f32
    %mul3A_19 = arith.mulf %add3A_18, %mul3A : f32
    %max3A = arith.constant 1.000000e+00 : f32
    %max3A_20 = arith.maximumf %mul3A_19, %max3A : f32
    %div3A = arith.divf %add3A, %max3A_20 : f32
    %swap3A = arith.constant 0 : index
    %swap3A_21 = memref.load %arg3[%swap3A] : memref<1xf32, #tpu.memory_space<smem>>
    memref.store %div3A, %arg3[%swap3A] : memref<1xf32, #tpu.memory_space<smem>>
    return
  }
}

</mosaic_0001>

<sc_bundles>
// kernel: kernel.5.cloned.1.call-start
scs
__scs_entry_jumppad:
0x0: {  	(pc) =	sbr.rel $0x88, $3  }
0x1: {  	(tag) =	ssettag $0x0;
	lr =	simm.s32 $0x1  }
0x2: {  	[smem:$0x3F9E] =	sst lr;
	_ =	strace $0xD0000000  }
0x3: {  	_ = 	snop  }
0x4: {  	_ = 	snop  }
0x5: {  	_ = 	snop  }
0x6: {  	_ = 	snop  }
0x7: {  	_ = 	snop  }
__scs_overlays_trampoline_lowered:
0x8: {  	[smem:$0x3FAD] =	sst s0  }
0x9: {  	[smem:$0x3FAE] =	sst s1  }
0xa: {  	[smem:$0x3FAF] =	sst s2  }
0xb: {  	[smem:$0x3FB0] =	sst s3  }
0xc: {  	[smem:$0x3FB1] =	sst s4  }
0xd: {  	[smem:$0x3FB2] =	sst s5  }
0xe: {  	[smem:$0x3FB3] =	sst s6  }
0xf: {  	[smem:$0x3FB4] =	sst s7  }
0x10: {  	[smem:$0x3FB5] =	sst s8  }
0x11: {  	[smem:$0x3FB6] =	sst s9;
	s0 =	simm.s32 @!p0 $0x0  }
0x12: {  	s1 =	sld [smem:$0x3F9C];
	s0 =	simm.s32 @p0 $0x1  }
0x13: {  	[smem:$0x3FB7] =	sst s0;
	s0 =	simm.s32 @!p1 $0x0  }
0x14: {  	s2 =	sld [smem:$0x3F9B];
	s0 =	simm.s32 @p1 $0x1  }
0x15: {  	[smem:$0x3FB8] =	sst s0;
	s0 =	simm.s32 @!p2 $0x0  }
0x16: {  	s3 =	sld [smem:$0x3FDB];
	s0 =	simm.s32 @p2 $0x1  }
0x17: {  	s4 =	simm.s32 $0x1BF5;
	[smem:$0x3FBA] =	sst s0  }
0x18: {  	s0 =	sld [smem:$0x3F9D];
	_ =	swait.ge [sflag:s4], $0x0  }
0x19: {  	s7 =	sld [smem:$0x3F9E]  }
0x1a: {  	s8 =	sadd.s32 $0xFFFFE003, lr  }
0x1b: {  	s9 =	sadd.s32 $0xFFFFFEF7, lr;
	s5 =	simm.s32 $0xFFFFFFFF;
	p2 =	slt.u32 s8, $0xFFFFF086  }
0x1c: {  	p1 =	slt.u32 s9, $0xF7A;
	s5 =	simm.s32 @!p2 $0x0  }
0x1d: {  	s5 =	simm.s32 @p1 $0x1;
	p0 =	seq.s32 s7, s2  }
0x1e: {  	s7 =	smul.u32 @!p0 $0xF7A, s2;
	p2 =	seq.s32 @!p0 s5, $0x0  }
0x1f: {  	s9 =	smul.u32 $0xF7A, s1;
	s8 =	simm.s32 @!p0 $0x1BF5;
	p2 =	por !p2, p0  }
0x20: {  	[sflag:s8] =	ssyncset.s32 @!p0 $0xFFFFF086;
	s6 =	sadd.s32 @!p0 s3, s7;
	s7 =	simm.s32 @!p0 $0x108  }
0x21: {  	s3 =	sadd.s32 s3, s9;
	s6 =	sadd.s32 @!p0 $0x88, s6;
	s7 =	simm.s32 @p2 $0x1082  }
0x22: {  	[simem:s7], [sflag:s8] =	dma.local @!p0 [hbm:s6], $0xF7A  }
0x23: {  	s9 =	sor.u32 $0xD0000000, s2;
	s6 =	simm.s32 $0x108;
	_ =	swait.ge @!p0 [sflag:s8], $0x0  }
0x24: {  	s3 =	sadd.s32 $0x88, s3;
	s6 =	simm.s32 @!p1 $0x1082;
	[sflag:s4] =	ssyncset.s32 $0xFFFFF086  }
0x25: {  	[simem:s6], [sflag:s4] =	dma.local [hbm:s3], $0xF7A  }
0x26: {  	[smem:$0x3F9E] =	sst s1;
	(tag) =	ssettag s2;
	_ =	strace s9  }
0x27: {  	s1 =	sld [smem:$0x3FAE]  }
0x28: {  	s2 =	sld [smem:$0x3FAF]  }
0x29: {  	s4 =	sld [smem:$0x3FB1]  }
0x2a: {  	p0 =	seq.s32 s5, $0x0;
	s5 =	sld [smem:$0x3FB2]  }
0x2b: {  	s6 =	sld [smem:$0x3FB3]  }
0x2c: {  	s7 =	sld [smem:$0x3FB4]  }
0x2d: {  	s3 =	simm.s32 $0x108;
	s8 =	sld [smem:$0x3FB5]  }
0x2e: {  	s3 =	simm.s32 @!p0 $0x1082;
	s9 =	sld [smem:$0x3FB6]  }
0x2f: {  	lr =	sadd.s32 s0, s3;
	s0 =	sld [smem:$0x3FAD]  }
0x30: {  	s3 =	sld [smem:$0x3FB0]  }
0x31: {  	[smem:$0x3FB9] =	sst s10  }
0x32: {  	s10 =	sld [smem:$0x3FB7];
	_ =	sdelay $0x3  }
0x33: {  	p0 =	seq.s32 s10, $0x1;
	s10 =	sld [smem:$0x3FB9];
	_ =	sdelay $0x3  }
0x34: {  	[smem:$0x3FB9] =	sst s10  }
0x35: {  	s10 =	sld [smem:$0x3FB8];
	_ =	sdelay $0x3  }
0x36: {  	p1 =	seq.s32 s10, $0x1;
	s10 =	sld [smem:$0x3FB9];
	_ =	sdelay $0x3  }
0x37: {  	[smem:$0x3FB9] =	sst s10  }
0x38: {  	s10 =	sld [smem:$0x3FBA]  }
0x39: {  	_ = 	snop;
	(pc) =	sbr.ind lr, $3  }
0x3a: {  	_ = 	snop  }
0x3b: {  	_ = 	snop  }
0x3c: {  	p2 =	seq.s32 s10, $0x1;
	s10 =	sld [smem:$0x3FB9]  }
0x3d: {  	_ =	shalt  }
0x3e: {  	_ =	shalt  }
0x3f: {  	_ =	shalt  }
0x40: {  	_ =	shalt  }
0x41: {  	_ =	shalt  }
0x42: {  	_ =	shalt  }
0x43: {  	_ =	shalt  }
0x44: {  	_ =	shalt  }
0x45: {  	_ =	shalt  }
0x46: {  	_ =	shalt  }
0x47: {  	_ =	shalt  }
0x48: {  	_ =	shalt  }
0x49: {  	_ =	shalt  }
0x4a: {  	_ =	shalt  }
0x4b: {  	_ =	shalt  }
0x4c: {  	_ =	shalt  }
0x4d: {  	_ =	shalt  }
0x4e: {  	_ =	shalt  }
0x4f: {  	_ =	shalt  }
0x50: {  	_ =	shalt  }
0x51: {  	_ =	shalt  }
0x52: {  	_ =	shalt  }
0x53: {  	_ =	shalt  }
0x54: {  	_ =	shalt  }
0x55: {  	_ =	shalt  }
0x56: {  	_ =	shalt  }
0x57: {  	_ =	shalt  }
0x58: {  	_ =	shalt  }
0x59: {  	_ =	shalt  }
0x5a: {  	_ =	shalt  }
0x5b: {  	_ =	shalt  }
0x5c: {  	_ =	shalt  }
0x5d: {  	_ =	shalt  }
0x5e: {  	_ =	shalt  }
0x5f: {  	_ =	shalt  }
0x60: {  	_ =	shalt  }
0x61: {  	_ =	shalt  }
0x62: {  	_ =	shalt  }
0x63: {  	_ =	shalt  }
0x64: {  	_ =	shalt  }
0x65: {  	_ =	shalt  }
0x66: {  	_ =	shalt  }
0x67: {  	_ =	shalt  }
0x68: {  	_ =	shalt  }
0x69: {  	_ =	shalt  }
0x6a: {  	_ =	shalt  }
0x6b: {  	_ =	shalt  }
0x6c: {  	_ =	shalt  }
0x6d: {  	_ =	shalt  }
0x6e: {  	_ =	shalt  }
0x6f: {  	_ =	shalt  }
0x70: {  	_ =	shalt  }
0x71: {  	_ =	shalt  }
0x72: {  	_ =	shalt  }
0x73: {  	_ =	shalt  }
0x74: {  	_ =	shalt  }
0x75: {  	_ =	shalt  }
0x76: {  	_ =	shalt  }
0x77: {  	_ =	shalt  }
0x78: {  	_ =	shalt  }
0x79: {  	_ =	shalt  }
0x7a: {  	_ =	shalt  }
0x7b: {  	_ =	shalt  }
0x7c: {  	_ =	shalt  }
0x7d: {  	_ =	shalt  }
0x7e: {  	_ =	shalt  }
0x7f: {  	_ =	shalt  }
0x80: {  	_ =	shalt  }
0x81: {  	_ =	shalt  }
0x82: {  	_ =	shalt  }
0x83: {  	_ =	shalt  }
0x84: {  	_ =	shalt  }
0x85: {  	_ =	shalt  }
0x86: {  	_ =	shalt  }
0x87: {  	_ =	shalt  }
.Lfunc_end0:
.L_simem_size_0:
called_computation_lowered:
.L_overlay_start_0:
0x88: {  	s2 =	sld [smem:$0x3FD9]  }
0x89: {  	s3 =	sld [smem:$0x3FFE];
	_ =	sdelay $0x1  }
0x8a: {  	s1 =	srdreg.scid  }
0x8b: {  	s0 =	sand.u32 $0x1, s1  }
0x8c: {  	s17 =	sshll.u32 s0, $0xA;
	s2 =	sadd.s32 s3, s2  }
0x8d: {  	s2 =	sadd.s32 s2, s17  }
0x8e: {  	[smem:$0x3FC5] =	sst s2  }
0x8f: {  	_ = 	snop  }
0x90: {  	s2 =	sld [smem:$0x3FC9]  }
0x91: {  	s18 =	sld [smem:$0x3FC8]  }
0x92: {  	s4 =	sld [smem:$0x3FC7];
	(tm) =	ssettm $0x1  }
0x93: {  	s5 =	sld [smem:$0x3FFB];
	_ =	sdelay $0x3  }
0x94: {  	_ =	strace s5  }
0x95: {  	s5 =	sld [smem:$0x3FFC];
	_ =	sdelay $0x3  }
0x96: {  	_ =	strace s5  }
0x97: {  	s5 =	sld [smem:$0x3FFD];
	_ =	sdelay $0x3  }
0x98: {  	_ =	strace s5  }
0x99: {  	_ =	strace $0x8FFFFFFF  }
0x9a: {  	s19 =	sld [smem:$0x3FDB];
	_ =	sdelay $0x1  }
0x9b: {  	s6 =	simm.s32 $_scs_section_size  }
0x9c: {  	s7 =	simm.s32 $_size__tile_overlayer_lowered;
	s8 =	simm.s32 $_tile_overlayer_lowered  }
0x9d: {  	s22 =	simm.s32 $0x1BFF;
	s21 =	sshll.u32 s8, $0x1;
	s5 =	sadd.s32 s6, s19  }
0x9e: {  	s9 =	simm.s32 $0x0;
	s20 =	sshll.u32 s7, $0x1;
	s7 =	sadd.s32 s21, s5  }
0x9f: {  	[timem:s9], [sflag:s22] =	dma.local [hbm:s7], s20  }
0xa0: {  	_ =	swait.ge [sflag:s22], s20  }
0xa1: {  	s6 =	ssub.s32 $0x0, s20;
	[sflag:s22] =	ssyncset.done $0x0  }
0xa2: {  	[sflag:s22] =	ssyncadd.s32 s6;
	_ =	sdelay $0x1  }
0xa3: {  	s23 =	simm.s32 $0x1B8B  }
0xa4: {  	_ =	swait.ge [sflag:s23], $0x1  }
0xa5: {  	[sflag:s23] =	ssyncset.done $0x0  }
0xa6: {  	s25 =	simm.s32 $0x1B8E;
	s24 =	sld [smem:$0x3FFE];
	[sflag:s23] =	ssyncadd.s32 $0xFFFFFFFF  }
0xa7: {  	s26 =	simm.s32 $execute0_lowered;
	[smem:$0x3FD2] =	sst s25  }
0xa8: {  	s7 =	sshll.u32 s26, $0x1;
	_ =	strace $0x80000046;
	[dreg:$0x1] =	wrdreg $0xFFFFFFFF  }
0xa9: {  	s28 =	simm.s32 $_size_execute0_lowered;
	s5 =	sadd.s32 s5, s7;
	[dreg:$0x0] =	wrdreg $0x0  }
0xaa: {  	s7 =	sshll.u32 s28, $0x1;
	[dreg:$0x2] =	wrdreg s5  }
0xab: {  	[dreg:$0x3] =	wrdreg s7  }
0xac: {  	[dreg:$0x4] =	wrdreg $0xC0  }
0xad: {  	_ =	task [dreg:s9], $0x5FFFF  }
0xae: {  	[dreg:$0x1] =	wrdreg $0xFFFFFFFF  }
0xaf: {  	[dreg:$0x0] =	wrdreg $0x60  }
0xb0: {  	[dreg:$0x2] =	wrdreg s2  }
0xb1: {  	[dreg:$0x3] =	wrdreg s4  }
0xb2: {  	[dreg:$0x4] =	wrdreg s18  }
0xb3: {  	[dreg:$0x5] =	wrdreg s24  }
0xb4: {  	[dreg:$0x6] =	wrdreg $0x9  }
0xb5: {  	_ =	task.clear_ibuf [dreg:s9], $0x7FFFF;
	_ =	strace $0x90000046  }
0xb6: {  	s29 =	simm.s32 $0x9;
	_ =	strace $0x80000048  }
0xb7: {  	_ =	swait.ge [sflag:s29], $0x1  }
0xb8: {  	[sflag:s29] =	ssyncadd.s32 $0xFFFFFFFF  }
0xb9: {  	_ =	strace $0x90000048  }
0xba: {  	_ =	sfence  }
0xbb: {  	s30 =	sld [smem:$0x0];
	_ =	sdelay $0x2  }
0xbc: {  	s31 =	sshll.u32 s1, $0xD;
	s1 =	sshrl.u32 s1, $0x2  }
0xbd: {  	s3 =	sand.u32 $0x4000, s31;
	s1 =	sadd.s32 s1, s30  }
0xbe: {  	s0 =	sor.u32 s3, s0;
	s1 =	sshll.u32 s1, $0x11  }
0xbf: {  	s0 =	sor.u32 s1, s0  }
0xc0: {  	s0 =	sadd.s32 $0x8F2B, s0  }
0xc1: {  	[sflag:s0] =	ssyncadd.remote.s32 $0x1  }
0xc2: {  	_ =	sfence.sel $0xFFFF  }
0xc3: {  	[dreg:$0x0] =	wrdreg $0xFFFFFFFF;
	(pc) =	sbr.abs _section_cstart, $3  }
0xc4: {  	[dreg:$0x1] =	wrdreg $0xFFFFFFFF  }
0xc5: {  	_ =	task.clear_ibuf [dreg:s9], $0x2FFFF;
	_ =	strace $0x9FFFFFFF  }
0xc6: {  	(tm) =	ssettm $0x7FFFFFFF  }
0xc7: {  	_ =	shalt  }
tec
execute0_lowered:
.L_overlay_start_1:
0x0: {  	(tag) =	ssettag $0x1  }
0x1: {  	s1 =	rddreg [dreg:$0x0]  }
0x2: {  	s3 =	rddreg [dreg:$0x1]  }
0x3: {  	s4 =	rddreg [dreg:$0x2]  }
0x4: {  	s6 =	rddreg [dreg:$0x3]  }
0x5: {  	s5 =	srdreg.scid;
	s2 =	stileid.u32  }
0x6: {  	s0 =	rddreg [dreg:$0x4];
	s14 =	simm.s32 $0x8000;
	s15 =	simm.s32 $0x10000  }
0x7: {  	s16 =	simm.s32 $0x4000;
	s17 =	simm.s32 $0xC000;
	s18 =	simm.s32 $0x11000  }
0x8: {  	s19 =	simm.s32 $0x1;
	s20 =	simm.s32 $0x2;
	s21 =	simm.s32 $0x12000  }
0x9: {  	s22 =	simm.s32 $0x3;
	s7 =	sand.u32 $0x1, s5;
	s8 =	sshll.u32 s2, $0x1  }
0xa: {  	s23 =	simm.s32 $0x0;
	s5 =	simm.s32 $0x0;
	s8 =	sor.u32 s7, s8  }
0xb: {  	s7 =	ssub.s32 $0x2, s7;
	[smem:$0x7FF] =	sst s5;
	s9 =	sshll.u32 s8, $0x1  }
0xc: {  	s10 =	sshrl.u32 s7, $0x1;
	_ =	strace $0x80000047;
	s13 =	sshll.u32 s8, $0xF  }
0xd: {  	s31 =	sshll.u32 s8, $0xE;
	s8 =	sshll.u32 s8, $0xC;
	s11 =	sadd.s32 s9, s6  }
0xe: {  	s12 =	ssub.s32 s7, s10;
	s6 =	sadd.s32 s1, s31;
	s7 =	sadd.s32 s3, s31  }
0xf: {  	s8 =	sadd.s32 s4, s8;
	s9 =	sor.u32 $0x2000, s13;
	s13 =	sor.u32 $0x1000, s13  }
0x10: {  	v0 =	vimm.f32 $0.0e+00;
	s10 =	sadd.s32 $0xC00, s11;
	s11 =	sadd.s32 $0xA00, s11;
	s12 =	smax.u32 s12, $0x1  }
.LBB2_1:
0x11: {  	[tilespmem:s5], [sflag:$0x1] =	stream.linear.gather [hbm4b:s6+s5], $0x4000, $0x38;
	[tilespmem:$0x12010] =	vst v63  }
0x12: {  	_ = 	snop  }
0x13: {  	[tilespmem:s14], [sflag:$0x1] =	stream.linear.gather [hbm4b:s7+s5], $0x4000, $0x38;
	[tilespmem:$0x12010] =	vst v63  }
0x14: {  	s24 =	simm.s32 $0x0  }
0x15: {  	v1 =	vimm.f32 $0.0e+00;
	v2 =	vimm.f32 $0.0e+00;
	[tilespmem:s15], [sflag:$0x1] =	stream.linear.gather [hbm4b:s8+s5], $0x1000, $0x38;
	[tilespmem:$0x12010] =	vst v63  }
.LBB2_2:
0x16: {  	s25 =	sshll.u32 s24, $0xD  }
0x17: {  	s26 =	sor.u32 s13, s25  }
0x18: {  	s28 =	sshrl.u32 s26, $0x1  }
0x19: {  	s30 =	simm.s32 $0x0;
	s29 =	sadd.s32 s1, s28  }
0x1a: {  	[tilespmem:s16], [sflag:$0x2] =	stream.linear.gather [hbm4b:s29+s30], $0x4000, $0x38;
	[tilespmem:$0x12010] =	vst v63  }
0x1b: {  	s26 =	sshrl.u32 s26, $0x3;
	s28 =	sadd.s32 s3, s28  }
0x1c: {  	[tilespmem:s17], [sflag:$0x2] =	stream.linear.gather [hbm4b:s28+s30], $0x4000, $0x38;
	[tilespmem:$0x12010] =	vst v63  }
0x1d: {  	s26 =	sadd.s32 s4, s26  }
0x1e: {  	[tilespmem:s18], [sflag:$0x2] =	stream.linear.gather [hbm4b:s26+s30], $0x1000, $0x38;
	[tilespmem:$0x12010] =	vst v63  }
0x1f: {  	_ =	swait.ge [sflag:s19], $0x4000  }
0x20: {  	[sflag:s19] =	ssyncset.done $0x0  }
0x21: {  	[sflag:s19] =	ssyncadd.s32 $0xFFFFC000  }
0x22: {  	_ =	swait.ge [sflag:s19], $0x4000  }
0x23: {  	[sflag:s19] =	ssyncset.done $0x0  }
0x24: {  	[sflag:s19] =	ssyncadd.s32 $0xFFFFC000  }
0x25: {  	_ =	swait.ge [sflag:s19], $0x1000  }
0x26: {  	s31 =	sand.u32 $0x3E00, s30;
	s28 =	sand.u32 $0x70, s30;
	[sflag:s19] =	ssyncset.done $0x0  }
0x27: {  	s26 =	sor.u32 s28, s31;
	[sflag:s19] =	ssyncadd.s32 $0xFFFFF000  }
0x28: {  	v3 =	vld [tilespmem:s26+$0x180]  }
0x29: {  	v4 =	vld [tilespmem:s26+$0x8180]  }
0x2a: {  	v5 =	vld [tilespmem:s26+$0x0]  }
0x2b: {  	v6 =	vld [tilespmem:s26+$0x8000]  }
0x2c: {  	v7 =	vld [tilespmem:s26+$0x80]  }
0x2d: {  	v8 =	vld [tilespmem:s26+$0x8080]  }
0x2e: {  	v9 =	vld [tilespmem:s26+$0x100]  }
0x2f: {  	s31 =	simm.s32 $0x40;
	s28 =	simm.s32 $0x10;
	v10 =	vld [tilespmem:s26+$0x8100]  }
0x30: {  	s28 =	sand.u32 $0x70, s28;
	s26 =	sand.u32 $0x3E00, s31;
	v5 =	vsub.f32 v5, v6  }
0x31: {  	s26 =	sor.u32 s28, s26  }
0x32: {  	v11 =	vld [tilespmem:s26+$0x8180];
	v7 =	vsub.f32 v7, v8;
	v5 =	vand.u32 $0x7FFFFFFF, v5  }
0x33: {  	s29 =	simm.s32 $0x0;
	v15 =	vld [tilespmem:s26+$0x80];
	v3 =	vsub.f32 v3, v4;
	v8 =	vmin.f32 v5, $1.000000000e+00  }
0x34: {  	v6 =	vld [tilespmem:s29+$0x10000];
	v9 =	vsub.f32 v9, v10;
	v7 =	vand.u32 $0x7FFFFFFF, v7;
	v12 =	vmul.f32 $5.000000000e-01, v8  }
0x35: {  	v10 =	vld [tilespmem:s26+$0x0];
	v14 =	vand.u32 $0x7FFFFFFF, v3;
	v13 =	vmin.f32 v7, $1.000000000e+00  }
0x36: {  	v3 =	vld [tilespmem:s26+$0x8000];
	v9 =	vand.u32 $0x7FFFFFFF, v9;
	v5 =	vsub.f32 v5, v12;
	v12 =	vmul.f32 $5.000000000e-01, v13  }
0x37: {  	v18 =	vld [tilespmem:s26+$0x8080];
	v16 =	vmin.f32 v9, $1.000000000e+00;
	v17 =	vmin.f32 v14, $1.000000000e+00  }
0x38: {  	v19 =	vld [tilespmem:s26+$0x100];
	v5 =	vmul.f32 v5, v8;
	v7 =	vsub.f32 v7, v12;
	v8 =	vmul.f32 $5.000000000e-01, v16  }
0x39: {  	v4 =	vld [tilespmem:s26+$0x180];
	vm0 =	veq.s32 v6, $0x1;
	v6 =	vmul.f32 $5.000000000e-01, v17  }
0x3a: {  	v20 =	vld [tilespmem:s26+$0x8100];
	v5 =	vadd.f32 $0.0e+00, v5;
	v7 =	vmul.f32 v7, v13;
	v8 =	vsub.f32 v9, v8  }
0x3b: {  	s28 =	simm.s32 $0x20;
	s26 =	simm.s32 $0x80;
	v12 =	vsub.f32 v14, v6;
	v9 =	vsub.f32 v10, v3  }
0x3c: {  	s31 =	simm.s32 $0x10;
	s30 =	sand.u32 $0x70, s28;
	s29 =	sand.u32 $0x3E00, s26;
	v3 =	vsel vm0, $0x3F800000, v0;
	v5 =	vadd.f32 v7, v5;
	v10 =	vmul.f32 v8, v16  }
0x3d: {  	s29 =	sor.u32 s30, s29;
	v6 =	vld [tilespmem:s31+$0x10000];
	v13 =	vsub.f32 v15, v18;
	v12 =	vmul.f32 v12, v17;
	v8 =	vand.u32 $0x7FFFFFFF, v9  }
0x3e: {  	v9 =	vsub.f32 v4, v11;
	v4 =	vld [tilespmem:s29+$0x180];
	v7 =	vmin.f32 v8, $1.000000000e+00;
	v11 =	vadd.f32 v10, v5  }
0x3f: {  	s30 =	simm.s32 $0xC0;
	v5 =	vld [tilespmem:s29+$0x8180];
	v14 =	vmul.f32 $5.000000000e-01, v7;
	v10 =	vand.u32 $0x7FFFFFFF, v13;
	v13 =	vsub.f32 v19, v20  }
.LBB2_3:
0x40: {  	p0 =	sne.s32 s30, $0x3FC0;
	v15 =	vld [tilespmem:s29+$0x0];
	v16 =	vmin.f32 v10, $1.000000000e+00;
	v9 =	vand.u32 $0x7FFFFFFF, v9;
	v11 =	vadd.f32 v12, v11  }
0x41: {  	v12 =	vld [tilespmem:s29+$0x8000];
	v8 =	vsub.f32 v8, v14;
	v14 =	vmul.f32 $5.000000000e-01, v16;
	v13 =	vand.u32 $0x7FFFFFFF, v13  }
0x42: {  	v19 =	vmin.f32 v9, $1.000000000e+00;
	v17 =	vld [tilespmem:s29+$0x80];
	v18 =	vmin.f32 v13, $1.000000000e+00;
	v11 =	vmul.f32 v11, v3  }
0x43: {  	v20 =	vld [tilespmem:s29+$0x8080];
	v7 =	vmul.f32 v8, v7;
	v8 =	vsub.f32 v10, v14;
	v10 =	vmul.f32 $5.000000000e-01, v18  }
0x44: {  	vm0 =	veq.s32 v6, $0x1;
	v6 =	vmul.f32 $5.000000000e-01, v19;
	v21 =	vld [tilespmem:s29+$0x100];
	v2 =	vadd.f32 v11, v2  }
0x45: {  	v22 =	vld [tilespmem:s29+$0x8100];
	v7 =	vadd.f32 $0.0e+00, v7;
	v8 =	vmul.f32 v8, v16;
	v10 =	vsub.f32 v13, v10  }
.Ltmp0:
0x46: {  	s28 =	sadd.s32 $0x10, s28;
	v1 =	vadd.f32 v3, v1;
	v3 =	vsel vm0, $0x3F800000, v0;
	v11 =	vsub.f32 v15, v12;
	(pc) =	sbr.rel @p0 .LBB2_3-.Ltmp0, $4  }
0x47: {  	s26 =	sshra.s32 s26, $0x2;
	s31 =	sand.u32 $0x70, s28;
	s29 =	sand.u32 $0x3E00, s30;
	v13 =	vsub.f32 v9, v6;
	v12 =	vadd.f32 v8, v7;
	v10 =	vmul.f32 v10, v18  }
0x48: {  	v9 =	vsub.f32 v4, v5;
	s29 =	sor.u32 s31, s29;
	v6 =	vld [tilespmem:s26+$0x10000];
	v8 =	vand.u32 $0x7FFFFFFF, v11;
	v15 =	vsub.f32 v17, v20;
	s26 =	smov.u32 s30  }
0x49: {  	v4 =	vld [tilespmem:s29+$0x180];
	v7 =	vmin.f32 v8, $1.000000000e+00;
	v11 =	vadd.f32 v10, v12;
	v12 =	vmul.f32 v13, v19  }
0x4a: {  	s30 =	sadd.s32 $0x40, s30;
	v5 =	vld [tilespmem:s29+$0x8180];
	v14 =	vmul.f32 $5.000000000e-01, v7;
	v10 =	vand.u32 $0x7FFFFFFF, v15;
	v13 =	vsub.f32 v21, v22  }
0x4b: {  	v15 =	vld [tilespmem:s29+$0x0]  }
0x4c: {  	v16 =	vld [tilespmem:s29+$0x8000]  }
0x4d: {  	v17 =	vld [tilespmem:s29+$0x80]  }
0x4e: {  	v18 =	vld [tilespmem:s29+$0x8080];
	p0 =	seq.s32 s24, $0x3  }
0x4f: {  	v19 =	vld [tilespmem:s29+$0x100];
	s25 =	sadd.s32 @!p0 s25, s9  }
0x50: {  	v20 =	vld [tilespmem:s29+$0x8100];
	s26 =	sshra.s32 s26, $0x2;
	s28 =	sshrl.u32 @!p0 s25, $0x1  }
0x51: {  	v21 =	vld [tilespmem:s26+$0x10000];
	s29 =	simm.s32 @!p0 $0x0;
	s26 =	sadd.s32 @!p0 s1, s28  }
0x52: {  	[tilespmem:s29], [sflag:$0x1] =	stream.linear.gather @!p0 [hbm4b:s26+s29], $0x4000, $0x38;
	[tilespmem:$0x12010] =	vst v63  }
0x53: {  	s25 =	sshrl.u32 @!p0 s25, $0x3;
	s26 =	sadd.s32 @!p0 s3, s28;
	s28 =	simm.s32 @!p0 $0x8000  }
0x54: {  	[tilespmem:s28], [sflag:$0x1] =	stream.linear.gather @!p0 [hbm4b:s26+s29], $0x4000, $0x38;
	[tilespmem:$0x12010] =	vst v63  }
0x55: {  	s25 =	sadd.s32 @!p0 s4, s25;
	s26 =	simm.s32 @!p0 $0x10000  }
0x56: {  	v22 =	vmin.f32 v10, $1.000000000e+00;
	v11 =	vadd.f32 v12, v11;
	[tilespmem:s26], [sflag:$0x1] =	stream.linear.gather @!p0 [hbm4b:s25+s29], $0x1000, $0x38;
	[tilespmem:$0x12010] =	vst v63  }
0x57: {  	v23 =	vmul.f32 $5.000000000e-01, v22;
	v8 =	vsub.f32 v8, v14;
	_ =	swait.ge [sflag:s20], $0x4000  }
0x58: {  	v12 =	vand.u32 $0x7FFFFFFF, v13;
	v11 =	vmul.f32 v11, v3;
	[sflag:s20] =	ssyncset.done $0x0  }
0x59: {  	v10 =	vsub.f32 v10, v23;
	v7 =	vmul.f32 v8, v7;
	v8 =	vmin.f32 v12, $1.000000000e+00;
	[sflag:s20] =	ssyncadd.s32 $0xFFFFC000  }
0x5a: {  	v9 =	vand.u32 $0x7FFFFFFF, v9;
	vm0 =	veq.s32 v6, $0x1;
	v6 =	vmul.f32 $5.000000000e-01, v8;
	_ =	swait.ge [sflag:s20], $0x4000  }
0x5b: {  	v2 =	vadd.f32 v11, v2;
	v10 =	vmul.f32 v10, v22;
	v7 =	vadd.f32 $0.0e+00, v7;
	[sflag:s20] =	ssyncset.done $0x0  }
0x5c: {  	v13 =	vmin.f32 v9, $1.000000000e+00;
	v14 =	vsub.f32 v15, v16;
	v6 =	vsub.f32 v12, v6;
	[sflag:s20] =	ssyncadd.s32 $0xFFFFC000  }
0x5d: {  	s30 =	simm.s32 $0x0;
	v11 =	vsel vm0, $0x3F800000, v0;
	v12 =	vmul.f32 $5.000000000e-01, v13;
	v7 =	vadd.f32 v10, v7;
	_ =	swait.ge [sflag:s20], $0x1000  }
0x5e: {  	s31 =	sand.u32 $0x3E00, s30;
	v10 =	vsub.f32 v17, v18;
	v6 =	vmul.f32 v6, v8;
	v8 =	vand.u32 $0x7FFFFFFF, v14;
	s25 =	sand.u32 $0x70, s30;
	[sflag:s20] =	ssyncset.done $0x0  }
0x5f: {  	v4 =	vsub.f32 v4, v5;
	v9 =	vsub.f32 v9, v12;
	v5 =	vmin.f32 v8, $1.000000000e+00;
	s25 =	sor.u32 s25, s31;
	[sflag:s20] =	ssyncadd.s32 $0xFFFFF000  }
0x60: {  	v14 =	vsub.f32 v19, v20;
	v10 =	vand.u32 $0x7FFFFFFF, v10;
	v12 =	vmul.f32 $5.000000000e-01, v5;
	v15 =	vld [tilespmem:s25+$0x4180]  }
0x61: {  	v6 =	vadd.f32 v6, v7;
	v7 =	vmul.f32 v9, v13;
	v9 =	vmin.f32 v10, $1.000000000e+00;
	v13 =	vld [tilespmem:s25+$0xC180]  }
0x62: {  	v14 =	vand.u32 $0x7FFFFFFF, v14;
	v8 =	vsub.f32 v8, v12;
	v12 =	vmul.f32 $5.000000000e-01, v9;
	v55 =	vld [tilespmem:s25+$0x4000]  }
0x63: {  	v4 =	vand.u32 $0x7FFFFFFF, v4;
	v6 =	vadd.f32 v7, v6;
	v7 =	vmin.f32 v14, $1.000000000e+00;
	v56 =	vld [tilespmem:s25+$0xC000]  }
0x64: {  	v5 =	vmul.f32 v8, v5;
	v8 =	vsub.f32 v10, v12;
	v10 =	vmul.f32 $5.000000000e-01, v7;
	v12 =	vld [tilespmem:s25+$0x4080]  }
0x65: {  	v1 =	vadd.f32 v3, v1;
	v3 =	vmin.f32 v4, $1.000000000e+00;
	v6 =	vmul.f32 v6, v11;
	v57 =	vld [tilespmem:s25+$0xC080]  }
0x66: {  	v5 =	vadd.f32 $0.0e+00, v5;
	v8 =	vmul.f32 v8, v9;
	v9 =	vsub.f32 v14, v10;
	v10 =	vld [tilespmem:s25+$0x4100]  }
0x67: {  	vm14 =	veq.s32 v21, $0x1;
	v14 =	vmul.f32 $5.000000000e-01, v3;
	v2 =	vadd.f32 v6, v2;
	v6 =	vld [tilespmem:s25+$0xC100]  }
0x68: {  	s30 =	simm.s32 $0x40;
	s31 =	simm.s32 $0x10;
	v5 =	vadd.f32 v8, v5;
	v7 =	vmul.f32 v9, v7;
	v8 =	vsub.f32 v55, v56  }
0x69: {  	s28 =	simm.s32 $0x0;
	s26 =	sand.u32 $0x70, s31;
	v11 =	vadd.f32 v11, v1;
	v9 =	vsel vm14, $0x3F800000, v0;
	v1 =	vsub.f32 v4, v14;
	s25 =	sand.u32 $0x3E00, s30  }
0x6a: {  	s25 =	sor.u32 s26, s25;
	v4 =	vadd.f32 v7, v5;
	v5 =	vld [tilespmem:s28+$0x11000];
	v7 =	vand.u32 $0x7FFFFFFF, v8;
	v8 =	vsub.f32 v12, v57  }
0x6b: {  	v1 =	vmul.f32 v1, v3;
	v14 =	vld [tilespmem:s25+$0xC180];
	v3 =	vsub.f32 v15, v13;
	v13 =	vmin.f32 v7, $1.000000000e+00  }
0x6c: {  	v59 =	vld [tilespmem:s25+$0x4080];
	v6 =	vsub.f32 v10, v6;
	v15 =	vmul.f32 $5.000000000e-01, v13;
	v8 =	vand.u32 $0x7FFFFFFF, v8  }
0x6d: {  	v1 =	vadd.f32 v1, v4;
	v4 =	vld [tilespmem:s25+$0x4000];
	v58 =	vand.u32 $0x7FFFFFFF, v3;
	v10 =	vmin.f32 v8, $1.000000000e+00  }
0x6e: {  	v3 =	vld [tilespmem:s25+$0xC000];
	v6 =	vand.u32 $0x7FFFFFFF, v6;
	v7 =	vsub.f32 v7, v15;
	v15 =	vmul.f32 $5.000000000e-01, v10  }
0x6f: {  	v62 =	vld [tilespmem:s25+$0xC080];
	v1 =	vmul.f32 v1, v9;
	v60 =	vmin.f32 v6, $1.000000000e+00;
	v61 =	vmin.f32 v58, $1.000000000e+00  }
0x70: {  	v12 =	vld [tilespmem:s25+$0x4180];
	v7 =	vmul.f32 v7, v13;
	v8 =	vsub.f32 v8, v15;
	v13 =	vmul.f32 $5.000000000e-01, v60  }
0x71: {  	v63 =	vld [tilespmem:s25+$0xC100];
	vm15 =	veq.s32 v5, $0x1;
	v1 =	vadd.f32 v1, v2;
	v5 =	vmul.f32 $5.000000000e-01, v61  }
0x72: {  	v15 =	vld [tilespmem:s25+$0x4100];
	v7 =	vadd.f32 $0.0e+00, v7;
	v8 =	vmul.f32 v8, v10;
	v6 =	vsub.f32 v6, v13  }
0x73: {  	s26 =	simm.s32 $0x20;
	v2 =	vadd.f32 v9, v11;
	v9 =	vsub.f32 v4, v3;
	v3 =	vsel vm15, $0x3F800000, v0;
	s25 =	simm.s32 $0x80  }
0x74: {  	s30 =	simm.s32 $0x10;
	s29 =	sand.u32 $0x70, s26;
	s28 =	sand.u32 $0x3E00, s25;
	v7 =	vadd.f32 v8, v7;
	v6 =	vmul.f32 v6, v60;
	v8 =	vsub.f32 v58, v5  }
0x75: {  	v4 =	vld [tilespmem:s30+$0x11000];
	v11 =	vsub.f32 v12, v14;
	s28 =	sor.u32 s29, s28;
	v10 =	vand.u32 $0x7FFFFFFF, v9;
	v13 =	vsub.f32 v59, v62  }
0x76: {  	v9 =	vmin.f32 v10, $1.000000000e+00;
	v5 =	vld [tilespmem:s28+$0x4180];
	v7 =	vadd.f32 v6, v7;
	v8 =	vmul.f32 v8, v61  }
0x77: {  	s29 =	simm.s32 $0xC0;
	v14 =	vmul.f32 $5.000000000e-01, v9;
	v12 =	vand.u32 $0x7FFFFFFF, v13;
	v13 =	vsub.f32 v15, v63;
	v6 =	vld [tilespmem:s28+$0xC180]  }
.LBB2_5:
0x78: {  	p0 =	sne.s32 s29, $0x3FC0;
	v15 =	vld [tilespmem:s28+$0x4000];
	v16 =	vmin.f32 v12, $1.000000000e+00;
	v11 =	vand.u32 $0x7FFFFFFF, v11;
	v7 =	vadd.f32 v8, v7  }
0x79: {  	v8 =	vld [tilespmem:s28+$0xC000];
	v10 =	vsub.f32 v10, v14;
	v14 =	vmul.f32 $5.000000000e-01, v16;
	v13 =	vand.u32 $0x7FFFFFFF, v13  }
0x7a: {  	v19 =	vmin.f32 v11, $1.000000000e+00;
	v17 =	vld [tilespmem:s28+$0x4080];
	v18 =	vmin.f32 v13, $1.000000000e+00;
	v7 =	vmul.f32 v7, v3  }
0x7b: {  	v20 =	vld [tilespmem:s28+$0xC080];
	v9 =	vmul.f32 v10, v9;
	v10 =	vsub.f32 v12, v14;
	v12 =	vmul.f32 $5.000000000e-01, v18  }
0x7c: {  	vm0 =	veq.s32 v4, $0x1;
	v4 =	vmul.f32 $5.000000000e-01, v19;
	v21 =	vld [tilespmem:s28+$0x4100];
	v1 =	vadd.f32 v7, v1  }
0x7d: {  	v22 =	vld [tilespmem:s28+$0xC100];
	v7 =	vadd.f32 $0.0e+00, v9;
	v9 =	vmul.f32 v10, v16;
	v10 =	vsub.f32 v13, v12  }
.Ltmp1:
0x7e: {  	s26 =	sadd.s32 $0x10, s26;
	v2 =	vadd.f32 v3, v2;
	v3 =	vsel vm0, $0x3F800000, v0;
	v8 =	vsub.f32 v15, v8;
	(pc) =	sbr.rel @p0 .LBB2_5-.Ltmp1, $4  }
0x7f: {  	s25 =	sshra.s32 s25, $0x2;
	s30 =	sand.u32 $0x70, s26;
	s28 =	sand.u32 $0x3E00, s29;
	v13 =	vsub.f32 v11, v4;
	v7 =	vadd.f32 v9, v7;
	v12 =	vmul.f32 v10, v18  }
0x80: {  	v11 =	vsub.f32 v5, v6;
	s28 =	sor.u32 s30, s28;
	v4 =	vld [tilespmem:s25+$0x11000];
	v10 =	vand.u32 $0x7FFFFFFF, v8;
	v15 =	vsub.f32 v17, v20;
	s25 =	smov.u32 s29  }
0x81: {  	v8 =	vmul.f32 v13, v19;
	v5 =	vld [tilespmem:s28+$0x4180];
	v9 =	vmin.f32 v10, $1.000000000e+00;
	v7 =	vadd.f32 v12, v7  }
0x82: {  	s29 =	sadd.s32 $0x40, s29;
	v6 =	vld [tilespmem:s28+$0xC180];
	v14 =	vmul.f32 $5.000000000e-01, v9;
	v12 =	vand.u32 $0x7FFFFFFF, v15;
	v13 =	vsub.f32 v21, v22  }
0x83: {  	v15 =	vld [tilespmem:s28+$0x4000]  }
0x84: {  	v16 =	vld [tilespmem:s28+$0xC000]  }
0x85: {  	v17 =	vld [tilespmem:s28+$0x4080]  }
0x86: {  	v18 =	vmin.f32 v12, $1.000000000e+00;
	v19 =	vld [tilespmem:s28+$0xC080]  }
0x87: {  	v21 =	vld [tilespmem:s28+$0x4100];
	v11 =	vand.u32 $0x7FFFFFFF, v11;
	v20 =	vmul.f32 $5.000000000e-01, v18  }
0x88: {  	v42 =	vld [tilespmem:s28+$0xC100];
	v10 =	vsub.f32 v10, v14;
	v13 =	vand.u32 $0x7FFFFFFF, v13;
	v46 =	vmin.f32 v11, $1.000000000e+00  }
0x89: {  	v44 =	vmin.f32 v13, $1.000000000e+00;
	v49 =	vmul.f32 $5.000000000e-01, v46;
	v15 =	vsub.f32 v15, v16  }
0x8a: {  	v43 =	vsub.f32 v12, v20;
	v9 =	vmul.f32 v10, v9;
	v45 =	vmul.f32 $5.000000000e-01, v44  }
0x8b: {  	v5 =	vsub.f32 v5, v6;
	v17 =	vsub.f32 v17, v19;
	v15 =	vand.u32 $0x7FFFFFFF, v15  }
0x8c: {  	v12 =	vmul.f32 v43, v18;
	v10 =	vsub.f32 v13, v45;
	v47 =	vmin.f32 v15, $1.000000000e+00  }
0x8d: {  	v14 =	vsub.f32 v21, v42;
	v17 =	vand.u32 $0x7FFFFFFF, v17;
	v48 =	vmul.f32 $5.000000000e-01, v47  }
0x8e: {  	v9 =	vadd.f32 $0.0e+00, v9;
	v5 =	vand.u32 $0x7FFFFFFF, v5;
	v50 =	vmin.f32 v17, $1.000000000e+00  }
0x8f: {  	v14 =	vand.u32 $0x7FFFFFFF, v14;
	v51 =	vmul.f32 $5.000000000e-01, v50;
	v13 =	vsub.f32 v15, v48  }
0x90: {  	v9 =	vadd.f32 v12, v9;
	v53 =	vmin.f32 v5, $1.000000000e+00;
	v52 =	vmin.f32 v14, $1.000000000e+00  }
0x91: {  	v54 =	vmul.f32 $5.000000000e-01, v52;
	v12 =	vsub.f32 v17, v51;
	v13 =	vmul.f32 v13, v47  }
0x92: {  	v11 =	vsub.f32 v11, v49;
	v10 =	vmul.f32 v10, v44;
	v55 =	vmul.f32 $5.000000000e-01, v53  }
0x93: {  	s25 =	sshra.s32 s25, $0x2;
	v56 =	vsub.f32 v14, v54;
	v6 =	vmul.f32 v12, v50;
	v13 =	vadd.f32 $0.0e+00, v13  }
0x94: {  	v7 =	vadd.f32 v8, v7;
	v57 =	vld [tilespmem:s25+$0x11000];
	v58 =	vmul.f32 v11, v46;
	v9 =	vadd.f32 v10, v9  }
0x95: {  	v5 =	vsub.f32 v5, v55;
	v59 =	vmul.f32 v56, v52;
	v6 =	vadd.f32 v6, v13  }
0x96: {  	v7 =	vmul.f32 v7, v3;
	vm0 =	veq.s32 v4, $0x1  }
0x97: {  	s24 =	sadd.s32 $0x1, s24;
	v60 =	vadd.f32 v58, v9;
	v5 =	vmul.f32 v5, v53;
	v6 =	vadd.f32 v59, v6  }
0x98: {  	v2 =	vadd.f32 v3, v2;
	p0 =	sne.s32 s24, $0x4;
	v61 =	vsel vm0, $0x3F800000, v0;
	v1 =	vadd.f32 v7, v1  }
.Ltmp2:
0x99: {  	vm15 =	veq.s32 v57, $0x1;
	v3 =	vmul.f32 v60, v61;
	v62 =	vadd.f32 v5, v6;
	(pc) =	sbr.rel @p0 .LBB2_2-.Ltmp2, $3  }
0x9a: {  	v63 =	vsel vm15, $0x3F800000, v0  }
0x9b: {  	v1 =	vadd.f32 v3, v1;
	v3 =	vadd.f32 v61, v2;
	v2 =	vmul.f32 v62, v63;
	_ =	sdelay $0x1  }
0x9c: {  	v2 =	vadd.f32 v2, v1;
	v1 =	vadd.f32 v63, v3  }
0x9d: {  	_ = 	snop  }
0x9e: {  	[tilespmem:$0x12000] =	vst v2  }
0x9f: {  	[hbm4b:s10+s5] =	stream.linear.scatter [tilespmem:s21], [sflag:$0x3], $0x10, $0x38;
	[tilespmem:$0x12010] =	vst v63  }
0xa0: {  	_ =	swait.ge [sflag:s22], $0x10  }
0xa1: {  	s23 =	sadd.s32 $0x1, s23;
	[sflag:s22] =	ssyncset.done $0x0  }
0xa2: {  	p0 =	sne.s32 s23, s12;
	[sflag:s22] =	ssyncadd.s32 $0xFFFFFFF0  }
.Ltmp3:
0xa3: {  	[tilespmem:$0x12000] =	vst v1;
	(pc) =	sbr.rel @p0 .LBB2_1-.Ltmp3, $4  }
0xa4: {  	[hbm4b:s11+s5] =	stream.linear.scatter [tilespmem:s21], [sflag:$0x3], $0x10, $0x38;
	[tilespmem:$0x12010] =	vst v63  }
0xa5: {  	_ =	swait.ge [sflag:s22], $0x10  }
0xa6: {  	[sflag:s22] =	ssyncset.done $0x0  }
0xa7: {  	[sflag:s22] =	ssyncadd.s32 $0xFFFFFFF0  }
0xa8: {  	_ =	sfence.sel $0x180000  }
0xa9: {  	[bflag:$0x0] =	sbarrier.arrive $0xFFFF  }
0xaa: {  	p0 =	sne.s32 s2, $0x0;
	_ =	strace $0x90000047  }
0xab: {  	s0 =	sadd.s32 @!p0 $0x100000, s0;
	[bflag:$0x2] =	sbarrier.arrive $0xFFFF  }
0xac: {  	[sflag:s0] =	ssyncadd.tile.s32 @!p0 $0x1;
	_ =	shalt  }
.Lfunc_end2:
_tile_overlayer_lowered:
.L_overlay_start_2:
0xad: {  	(tag) =	ssettag $0x2  }
0xae: {  	s0 =	rddreg [dreg:$0x0];
	s2 =	stileid.u32  }
0xaf: {  	s1 =	rddreg [dreg:$0x1];
	p0 =	sne.s32 s2, $0x0  }
0xb0: {  	s3 =	rddreg [dreg:$0x2];
	[bflag:$0x3] =	sbarrier.arrive $0xFFFF;
	s2 =	simm.s32 @!p0 $0x1C03  }
0xb1: {  	[timem:s3], [sflag:s2] =	dma.local @!p0 [hbm:s0], s1  }
0xb2: {  	s0 =	simm.s32 @!p0 $0x3  }
0xb3: {  	_ =	swait.ge @!p0 [sflag:s0], s1  }
0xb4: {  	s1 =	ssub.s32 @!p0 $0x0, s1;
	[sflag:s0] =	ssyncset.done @!p0 $0x0  }
0xb5: {  	[sflag:s0] =	ssyncadd.s32 @!p0 s1  }
0xb6: {  	[bflag:$0x3] =	sbarrier.arrive $0xFFFF  }
0xb7: {  	_ =	shalt  }

</sc_bundles>
